<compile_context>
chip_gen: v7x
topology: tpu7x:2x2x1
jax: 0.10.2.dev20260603
libtpu: 0.0.44.dev20260713+nightly
codegen_flags: <defaults>
</compile_context>

<pallas_src>
import functools

import jax
import jax.numpy as jnp
from jax import lax
from jax.experimental import pallas as pl
from jax.experimental.pallas import tpu as pltpu
from jax.experimental.pallas import tpu_sc as plsc

L = 16
NT = 16
SP = 625
BPT = 2
CHUNK = BPT * 4 * SP
WCHUNK = BPT * SP
NITER = (SP + L - 1) // L

_LN2 = 0.6931471805599453
_SQRT2 = 1.4142135623730951
_C3 = 2.0 / 3.0
_C5 = 2.0 / 5.0
_C7 = 2.0 / 7.0


def _log16(x):
    bits = plsc.bitcast(x, jnp.int32)
    e = lax.shift_right_arithmetic(bits, 23) - 127
    m = plsc.bitcast(
        jnp.bitwise_or(jnp.bitwise_and(bits, 0x007FFFFF), 0x3F800000),
        jnp.float32,
    )
    big = m > _SQRT2
    m = jnp.where(big, m * 0.5, m)
    ef = e.astype(jnp.float32) + jnp.where(big, 1.0, 0.0)
    t = (m - 1.0) / (m + 1.0)
    t2 = t * t
    logm = t * (2.0 + t2 * (_C3 + t2 * (_C5 + t2 * _C7)))
    return ef * _LN2 + logm


def _body(bp_hbm, rt_hbm, rw_hbm, out_hbm, bp_v, rt_v, rw_v, part_v,
          all_v, out_v, shared):
    sid = lax.axis_index("s")

    pltpu.sync_copy(bp_hbm.at[sid], bp_v.at[pl.ds(0, CHUNK)])
    pltpu.sync_copy(rt_hbm.at[sid], rt_v.at[pl.ds(0, CHUNK)])
    pltpu.sync_copy(rw_hbm.at[sid], rw_v.at[pl.ds(0, WCHUNK)])

    iota = lax.iota(jnp.int32, L)
    iota4 = iota * 4
    zero = jnp.zeros((L,), jnp.float32)
    one = jnp.ones((L,), jnp.float32)

    s_vec = zero
    c_vec = zero
    for j in range(BPT):
        jo = j * 4 * SP

        def body(i, carry, jo=jo, j=j):
            s, c = carry
            base = i * L
            idx = iota + base
            valid = idx < SP

            rw = rw_v[pl.ds(j * SP + base, L)]
            p_l = bp_v[pl.ds(jo + base, L)]
            p_t = bp_v[pl.ds(jo + SP + base, L)]
            p_r = bp_v[pl.ds(jo + 2 * SP + base, L)]
            p_b = bp_v[pl.ds(jo + 3 * SP + base, L)]
            gb = iota4 + (jo + base * 4)
            t_l = plsc.load_gather(rt_v, [gb])
            t_t = plsc.load_gather(rt_v, [gb + 1])
            t_r = plsc.load_gather(rt_v, [gb + 2])
            t_b = plsc.load_gather(rt_v, [gb + 3])

            t_area = (t_l + t_r) * (t_t + t_b)
            p_area = (p_l + p_r) * (p_t + p_b)
            w_i = jnp.minimum(p_l, t_l) + jnp.minimum(p_r, t_r)
            h_i = jnp.minimum(p_b, t_b) + jnp.minimum(p_t, t_t)
            a_i = w_i * h_i
            a_u = t_area + p_area - a_i
            ratio = (a_i + 1.0) / (a_u + 1.0)
            lg = _log16(ratio)
            m = jnp.logical_and(rw > 0.0, valid)
            s = s + jnp.where(m, lg, zero)
            c = c + jnp.where(m, one, zero)
            return s, c

        s_vec, c_vec = lax.fori_loop(0, NITER, body, (s_vec, c_vec))

    part_v[pl.ds(0, L)] = s_vec
    part_v[pl.ds(L, L)] = c_vec
    pltpu.sync_copy(part_v, shared.at[pl.ds(sid * 2 * L, 2 * L)])
    plsc.subcore_barrier()

    @pl.when(sid == 0)
    def _():
        pltpu.sync_copy(shared, all_v)
        ts = jnp.zeros((L,), jnp.float32)
        tc = jnp.zeros((L,), jnp.float32)
        for t in range(NT):
            ts = ts + all_v[pl.ds(t * 2 * L, L)]
            tc = tc + all_v[pl.ds(t * 2 * L + L, L)]
        ssum = jnp.broadcast_to(jnp.sum(ts), (L,))
        csum = jnp.broadcast_to(jnp.sum(tc), (L,))
        out_v[pl.ds(0, L)] = -ssum / jnp.maximum(csum, 1.0)
        pltpu.sync_copy(out_v, out_hbm)


@jax.jit
def _iou_loss(bp, rt, rw):
    mesh = plsc.VectorSubcoreMesh(
        core_axis_name="c", subcore_axis_name="s", num_cores=1
    )
    f = pl.kernel(
        _body,
        out_type=jax.ShapeDtypeStruct((L,), jnp.float32),
        mesh=mesh,
        compiler_params=pltpu.CompilerParams(
            needs_layout_passes=False, use_tc_tiling_on_sc=False
        ),
        scratch_types=[
            pltpu.VMEM((CHUNK + 128,), jnp.float32),
            pltpu.VMEM((CHUNK + 128,), jnp.float32),
            pltpu.VMEM((WCHUNK + 32,), jnp.float32),
            pltpu.VMEM((2 * L,), jnp.float32),
            pltpu.VMEM((NT * 2 * L,), jnp.float32),
            pltpu.VMEM((L,), jnp.float32),
            pltpu.VMEM_SHARED((NT * 2 * L,), jnp.float32),
        ],
    )
    return f(bp, rt, rw)


def kernel(bbox_pred, reg_target, reg_weight):
    bp = bbox_pred.reshape(NT, CHUNK)
    rt = reg_target.reshape(NT, CHUNK)
    rw = reg_weight.reshape(NT, WCHUNK)
    return _iou_loss(bp, rt, rw)[0]

# --- scband reference (transcript-rebuilt; emitter-appended) ---
"""Pipeline reference for scband-siam-x-4423816315312 (READ-ONLY COPY).

The authoritative reference and input builder live on the scoring server;
editing this copy changes nothing except your own understanding.
"""

import jax, jax.numpy as jnp
import numpy as np


def setup_inputs(seed: int = 0) -> dict:
    key = jax.random.key(seed)
    k1, k2, k3 = jax.random.split(key, 3)
    # ltrb offsets are non-negative in real SiamX training targets, so use uniform [0,1)
    bbox_pred = jax.random.uniform(k1, (32, 4, 25, 25), dtype=jnp.float32)
    reg_target = jax.random.uniform(k2, (32, 25, 25, 4), dtype=jnp.float32)
    reg_weight = jax.random.uniform(k3, (32, 25, 25), dtype=jnp.float32)
    return {"bbox_pred": bbox_pred, "reg_target": reg_target, "reg_weight": reg_weight}


def reference(bbox_pred, reg_target, reg_weight):
    # SiamX_.add_iouloss: flatten, select positions with reg_weight > 0, IoU log loss
    bp = jnp.transpose(bbox_pred, (0, 2, 3, 1)).reshape(-1, 4)
    rt = reg_target.reshape(-1, 4)
    rw = reg_weight.reshape(-1)
    mask = (rw > 0).astype(jnp.float32)

    pred_left, pred_top, pred_right, pred_bottom = bp[:, 0], bp[:, 1], bp[:, 2], bp[:, 3]
    target_left, target_top, target_right, target_bottom = rt[:, 0], rt[:, 1], rt[:, 2], rt[:, 3]

    target_area = (target_left + target_right) * (target_top + target_bottom)
    pred_area = (pred_left + pred_right) * (pred_top + pred_bottom)
    w_intersect = jnp.minimum(pred_left, target_left) + jnp.minimum(pred_right, target_right)
    h_intersect = jnp.minimum(pred_bottom, target_bottom) + jnp.minimum(pred_top, target_top)
    area_intersect = w_intersect * h_intersect
    area_union = target_area + pred_area - area_intersect

    ratio = (area_intersect + 1.0) / (area_union + 1.0)
    # masked-out positions replaced by 1.0 so log is always defined (dynamic-shape
    # index_select replaced by static masking, mathematically equivalent mean)
    ratio_safe = jnp.where(mask > 0, ratio, 1.0)
    losses = -jnp.log(ratio_safe)
    loss = jnp.sum(losses * mask) / jnp.maximum(jnp.sum(mask), 1.0)
    return loss

if __name__ == "__main__":
    import jax
    _d = setup_inputs()
    print(jax.jit(kernel)(*tuple(_d.values())))

</pallas_src>

<mosaic_0001>
#map = affine_map<(d0, d1) -> (0, 0)>
#map1 = affine_map<(d0, d1) -> (0)>
module attributes {stable_mosaic.version = 14 : i64} {
  func.func @_body(%arg0: i32, %arg1: i32, %arg2: memref<16x5000xf32, #tpu.memory_space<hbm>>, %arg3: memref<16x5000xf32, #tpu.memory_space<hbm>>, %arg4: memref<16x1250xf32, #tpu.memory_space<hbm>>, %arg5: memref<16xf32, #tpu.memory_space<hbm>>, %arg6: memref<5128xf32, #tpu.memory_space<vmem>>, %arg7: memref<5128xf32, #tpu.memory_space<vmem>>, %arg8: memref<1282xf32, #tpu.memory_space<vmem>>, %arg9: memref<32xf32, #tpu.memory_space<vmem>>, %arg10: memref<512xf32, #tpu.memory_space<vmem>>, %arg11: memref<16xf32, #tpu.memory_space<vmem>>, %arg12: memref<512xf32, #tpu.memory_space<vmem_shared>>) attributes {dimension_semantics = [#tpu.dimension_semantics<core_parallel>, #tpu.dimension_semantics<subcore_parallel>], iteration_bounds = array<i64: 1, 16>, scalar_prefetch = 0 : i64, scratch_operands = 7 : i64, tpu.core_type = #tpu.core_type<sc_vector_subcore>, window_params = [{transform_indices = #map}, {transform_indices = #map}, {transform_indices = #map}, {transform_indices = #map1}]} {
    "tpu.region"() ({
      %run_scoped3A = tpu.sem_alloc : memref<!tpu.dma_semaphore, #tpu.memory_space<semaphore_mem>>
      %dma_start3A = arith.constant 0 : i32
      %dma_start3A_25 = tpu.memref_slice %arg6[%dma_start3A] : memref<5128xf32, #tpu.memory_space<vmem>> -> memref<5000xf32, #tpu.memory_space<vmem>>
      %dma_start3A_26 = arith.constant 0 : i32
      %dma_start3A_27 = tpu.memref_slice %arg2[%arg1, %dma_start3A_26] : memref<16x5000xf32, #tpu.memory_space<hbm>> -> memref<1x5000xf32, #tpu.memory_space<hbm>>
      %dma_start3A_28 = tpu.memref_squeeze %dma_start3A_27 : memref<1x5000xf32, #tpu.memory_space<hbm>> -> memref<5000xf32, #tpu.memory_space<hbm>>
      %dma_start3A_29 = arith.constant 0 : i32
      %dma_start3A_30 = tpu.memref_slice %arg6[%dma_start3A_29] : memref<5128xf32, #tpu.memory_space<vmem>> -> memref<5000xf32, #tpu.memory_space<vmem>>
      %dma_start3A_31 = arith.constant 0 : i32
      %dma_start3A_32 = tpu.memref_slice %arg2[%arg1, %dma_start3A_31] : memref<16x5000xf32, #tpu.memory_space<hbm>> -> memref<1x5000xf32, #tpu.memory_space<hbm>>
      %dma_start3A_33 = tpu.memref_squeeze %dma_start3A_32 : memref<1x5000xf32, #tpu.memory_space<hbm>> -> memref<5000xf32, #tpu.memory_space<hbm>>
      tpu.enqueue_dma source(%dma_start3A_33 : memref<5000xf32, #tpu.memory_space<hbm>>) target(%dma_start3A_30 : memref<5000xf32, #tpu.memory_space<vmem>>) target_semaphore(%run_scoped3A : memref<!tpu.dma_semaphore, #tpu.memory_space<semaphore_mem>>)
      %dma_wait3A = arith.constant 0 : i32
      %dma_wait3A_34 = tpu.memref_slice %arg6[%dma_wait3A] : memref<5128xf32, #tpu.memory_space<vmem>> -> memref<5000xf32, #tpu.memory_space<vmem>>
      %dma_wait3A_35 = arith.constant 0 : i32
      %dma_wait3A_36 = tpu.memref_slice %arg2[%arg1, %dma_wait3A_35] : memref<16x5000xf32, #tpu.memory_space<hbm>> -> memref<1x5000xf32, #tpu.memory_space<hbm>>
      %dma_wait3A_37 = tpu.memref_squeeze %dma_wait3A_36 : memref<1x5000xf32, #tpu.memory_space<hbm>> -> memref<5000xf32, #tpu.memory_space<hbm>>
      %dma_wait3A_38 = arith.constant 0 : i32
      %dma_wait3A_39 = tpu.memref_slice %arg6[%dma_wait3A_38] : memref<5128xf32, #tpu.memory_space<vmem>> -> memref<5000xf32, #tpu.memory_space<vmem>>
      %dma_wait3A_40 = arith.constant 0 : i32
      %dma_wait3A_41 = tpu.memref_slice %arg2[%arg1, %dma_wait3A_40] : memref<16x5000xf32, #tpu.memory_space<hbm>> -> memref<1x5000xf32, #tpu.memory_space<hbm>>
      %dma_wait3A_42 = tpu.memref_squeeze %dma_wait3A_41 : memref<1x5000xf32, #tpu.memory_space<hbm>> -> memref<5000xf32, #tpu.memory_space<hbm>>
      tpu.wait_dma2 semaphore(%run_scoped3A : memref<!tpu.dma_semaphore, #tpu.memory_space<semaphore_mem>>) src(%dma_wait3A_42 : memref<5000xf32, #tpu.memory_space<hbm>>) dst(%dma_wait3A_39 : memref<5000xf32, #tpu.memory_space<vmem>>)
      tpu.yield
    }) : () -> ()
    "tpu.region"() ({
      %run_scoped3A = tpu.sem_alloc : memref<!tpu.dma_semaphore, #tpu.memory_space<semaphore_mem>>
      %dma_start3A = arith.constant 0 : i32
      %dma_start3A_25 = tpu.memref_slice %arg7[%dma_start3A] : memref<5128xf32, #tpu.memory_space<vmem>> -> memref<5000xf32, #tpu.memory_space<vmem>>
      %dma_start3A_26 = arith.constant 0 : i32
      %dma_start3A_27 = tpu.memref_slice %arg3[%arg1, %dma_start3A_26] : memref<16x5000xf32, #tpu.memory_space<hbm>> -> memref<1x5000xf32, #tpu.memory_space<hbm>>
      %dma_start3A_28 = tpu.memref_squeeze %dma_start3A_27 : memref<1x5000xf32, #tpu.memory_space<hbm>> -> memref<5000xf32, #tpu.memory_space<hbm>>
      %dma_start3A_29 = arith.constant 0 : i32
      %dma_start3A_30 = tpu.memref_slice %arg7[%dma_start3A_29] : memref<5128xf32, #tpu.memory_space<vmem>> -> memref<5000xf32, #tpu.memory_space<vmem>>
      %dma_start3A_31 = arith.constant 0 : i32
      %dma_start3A_32 = tpu.memref_slice %arg3[%arg1, %dma_start3A_31] : memref<16x5000xf32, #tpu.memory_space<hbm>> -> memref<1x5000xf32, #tpu.memory_space<hbm>>
      %dma_start3A_33 = tpu.memref_squeeze %dma_start3A_32 : memref<1x5000xf32, #tpu.memory_space<hbm>> -> memref<5000xf32, #tpu.memory_space<hbm>>
      tpu.enqueue_dma source(%dma_start3A_33 : memref<5000xf32, #tpu.memory_space<hbm>>) target(%dma_start3A_30 : memref<5000xf32, #tpu.memory_space<vmem>>) target_semaphore(%run_scoped3A : memref<!tpu.dma_semaphore, #tpu.memory_space<semaphore_mem>>)
      %dma_wait3A = arith.constant 0 : i32
      %dma_wait3A_34 = tpu.memref_slice %arg7[%dma_wait3A] : memref<5128xf32, #tpu.memory_space<vmem>> -> memref<5000xf32, #tpu.memory_space<vmem>>
      %dma_wait3A_35 = arith.constant 0 : i32
      %dma_wait3A_36 = tpu.memref_slice %arg3[%arg1, %dma_wait3A_35] : memref<16x5000xf32, #tpu.memory_space<hbm>> -> memref<1x5000xf32, #tpu.memory_space<hbm>>
      %dma_wait3A_37 = tpu.memref_squeeze %dma_wait3A_36 : memref<1x5000xf32, #tpu.memory_space<hbm>> -> memref<5000xf32, #tpu.memory_space<hbm>>
      %dma_wait3A_38 = arith.constant 0 : i32
      %dma_wait3A_39 = tpu.memref_slice %arg7[%dma_wait3A_38] : memref<5128xf32, #tpu.memory_space<vmem>> -> memref<5000xf32, #tpu.memory_space<vmem>>
      %dma_wait3A_40 = arith.constant 0 : i32
      %dma_wait3A_41 = tpu.memref_slice %arg3[%arg1, %dma_wait3A_40] : memref<16x5000xf32, #tpu.memory_space<hbm>> -> memref<1x5000xf32, #tpu.memory_space<hbm>>
      %dma_wait3A_42 = tpu.memref_squeeze %dma_wait3A_41 : memref<1x5000xf32, #tpu.memory_space<hbm>> -> memref<5000xf32, #tpu.memory_space<hbm>>
      tpu.wait_dma2 semaphore(%run_scoped3A : memref<!tpu.dma_semaphore, #tpu.memory_space<semaphore_mem>>) src(%dma_wait3A_42 : memref<5000xf32, #tpu.memory_space<hbm>>) dst(%dma_wait3A_39 : memref<5000xf32, #tpu.memory_space<vmem>>)
      tpu.yield
    }) : () -> ()
    "tpu.region"() ({
      %run_scoped3A = tpu.sem_alloc : memref<!tpu.dma_semaphore, #tpu.memory_space<semaphore_mem>>
      %dma_start3A = arith.constant 0 : i32
      %dma_start3A_25 = tpu.memref_slice %arg8[%dma_start3A] : memref<1282xf32, #tpu.memory_space<vmem>> -> memref<1250xf32, #tpu.memory_space<vmem>>
      %dma_start3A_26 = arith.constant 0 : i32
      %dma_start3A_27 = tpu.memref_slice %arg4[%arg1, %dma_start3A_26] : memref<16x1250xf32, #tpu.memory_space<hbm>> -> memref<1x1250xf32, #tpu.memory_space<hbm>>
      %dma_start3A_28 = tpu.memref_squeeze %dma_start3A_27 : memref<1x1250xf32, #tpu.memory_space<hbm>> -> memref<1250xf32, #tpu.memory_space<hbm>>
      %dma_start3A_29 = arith.constant 0 : i32
      %dma_start3A_30 = tpu.memref_slice %arg8[%dma_start3A_29] : memref<1282xf32, #tpu.memory_space<vmem>> -> memref<1250xf32, #tpu.memory_space<vmem>>
      %dma_start3A_31 = arith.constant 0 : i32
      %dma_start3A_32 = tpu.memref_slice %arg4[%arg1, %dma_start3A_31] : memref<16x1250xf32, #tpu.memory_space<hbm>> -> memref<1x1250xf32, #tpu.memory_space<hbm>>
      %dma_start3A_33 = tpu.memref_squeeze %dma_start3A_32 : memref<1x1250xf32, #tpu.memory_space<hbm>> -> memref<1250xf32, #tpu.memory_space<hbm>>
      tpu.enqueue_dma source(%dma_start3A_33 : memref<1250xf32, #tpu.memory_space<hbm>>) target(%dma_start3A_30 : memref<1250xf32, #tpu.memory_space<vmem>>) target_semaphore(%run_scoped3A : memref<!tpu.dma_semaphore, #tpu.memory_space<semaphore_mem>>)
      %dma_wait3A = arith.constant 0 : i32
      %dma_wait3A_34 = tpu.memref_slice %arg8[%dma_wait3A] : memref<1282xf32, #tpu.memory_space<vmem>> -> memref<1250xf32, #tpu.memory_space<vmem>>
      %dma_wait3A_35 = arith.constant 0 : i32
      %dma_wait3A_36 = tpu.memref_slice %arg4[%arg1, %dma_wait3A_35] : memref<16x1250xf32, #tpu.memory_space<hbm>> -> memref<1x1250xf32, #tpu.memory_space<hbm>>
      %dma_wait3A_37 = tpu.memref_squeeze %dma_wait3A_36 : memref<1x1250xf32, #tpu.memory_space<hbm>> -> memref<1250xf32, #tpu.memory_space<hbm>>
      %dma_wait3A_38 = arith.constant 0 : i32
      %dma_wait3A_39 = tpu.memref_slice %arg8[%dma_wait3A_38] : memref<1282xf32, #tpu.memory_space<vmem>> -> memref<1250xf32, #tpu.memory_space<vmem>>
      %dma_wait3A_40 = arith.constant 0 : i32
      %dma_wait3A_41 = tpu.memref_slice %arg4[%arg1, %dma_wait3A_40] : memref<16x1250xf32, #tpu.memory_space<hbm>> -> memref<1x1250xf32, #tpu.memory_space<hbm>>
      %dma_wait3A_42 = tpu.memref_squeeze %dma_wait3A_41 : memref<1x1250xf32, #tpu.memory_space<hbm>> -> memref<1250xf32, #tpu.memory_space<hbm>>
      tpu.wait_dma2 semaphore(%run_scoped3A : memref<!tpu.dma_semaphore, #tpu.memory_space<semaphore_mem>>) src(%dma_wait3A_42 : memref<1250xf32, #tpu.memory_space<hbm>>) dst(%dma_wait3A_39 : memref<1250xf32, #tpu.memory_space<vmem>>)
      tpu.yield
    }) : () -> ()
    %iota3A = tpu.iota {dimensions = array<i32: 0>} : vector<16xi32>
    %mul3A = arith.constant 4 : i32
    %mul3A_0 = vector.broadcast %mul3A : i32 to vector<16xi32>
    %mul3A_1 = arith.muli %iota3A, %mul3A_0 : vector<16xi32>
    %broadcast_in_dim3A = arith.constant 0.000000e+00 : f32
    %broadcast_in_dim3A_2 = vector.broadcast %broadcast_in_dim3A : f32 to vector<16xf32>
    %broadcast_in_dim3A_3 = arith.constant 1.000000e+00 : f32
    %broadcast_in_dim3A_4 = vector.broadcast %broadcast_in_dim3A_3 : f32 to vector<16xf32>
    %scan3A = arith.constant 0 : i32
    %scan3A_5 = arith.constant 40 : i32
    %scan3A_6 = arith.addi %scan3A, %scan3A_5 : i32
    %scan3A_7 = arith.constant 1 : i32
    %scan3A_8:2 = scf.for %scan3A_25 = %scan3A to %scan3A_6 step %scan3A_7 iter_args(%scan3A_26 = %broadcast_in_dim3A_2, %scan3A_27 = %broadcast_in_dim3A_2) -> (vector<16xf32>, vector<16xf32>)  : i32 {
      %mul3A_28 = arith.constant 16 : i32
      %mul3A_29 = arith.muli %scan3A_25, %mul3A_28 : i32
      %add3A = vector.broadcast %mul3A_29 : i32 to vector<16xi32>
      %add3A_30 = arith.addi %iota3A, %add3A : vector<16xi32>
      %lt3A = arith.constant 625 : i32
      %lt3A_31 = vector.broadcast %lt3A : i32 to vector<16xi32>
      %lt3A_32 = arith.cmpi slt, %add3A_30, %lt3A_31 : vector<16xi32>
      %add3A_33 = arith.constant 0 : i32
      %add3A_34 = arith.addi %add3A_33, %mul3A_29 : i32
      %get3A = arith.index_cast %add3A_34 : i32 to index
      %get3A_35 = tpu.vector_load %arg8[%get3A] {strides = array<i32>} : memref<1282xf32, #tpu.memory_space<vmem>>, vector<16xf32>,
      %add3A_36 = arith.constant 0 : i32
      %add3A_37 = arith.addi %add3A_36, %mul3A_29 : i32
      %get3A_38 = arith.index_cast %add3A_37 : i32 to index
      %get3A_39 = tpu.vector_load %arg6[%get3A_38] {strides = array<i32>} : memref<5128xf32, #tpu.memory_space<vmem>>, vector<16xf32>,
      %add3A_40 = arith.constant 625 : i32
      %add3A_41 = arith.addi %add3A_40, %mul3A_29 : i32
      %get3A_42 = arith.index_cast %add3A_41 : i32 to index
      %get3A_43 = tpu.vector_load %arg6[%get3A_42] {strides = array<i32>} : memref<5128xf32, #tpu.memory_space<vmem>>, vector<16xf32>,
      %add3A_44 = arith.constant 1250 : i32
      %add3A_45 = arith.addi %add3A_44, %mul3A_29 : i32
      %get3A_46 = arith.index_cast %add3A_45 : i32 to index
      %get3A_47 = tpu.vector_load %arg6[%get3A_46] {strides = array<i32>} : memref<5128xf32, #tpu.memory_space<vmem>>, vector<16xf32>,
      %add3A_48 = arith.constant 1875 : i32
      %add3A_49 = arith.addi %add3A_48, %mul3A_29 : i32
      %get3A_50 = arith.index_cast %add3A_49 : i32 to index
      %get3A_51 = tpu.vector_load %arg6[%get3A_50] {strides = array<i32>} : memref<5128xf32, #tpu.memory_space<vmem>>, vector<16xf32>,
      %mul3A_52 = arith.constant 4 : i32
      %mul3A_53 = arith.muli %mul3A_29, %mul3A_52 : i32
      %add3A_54 = arith.constant 0 : i32
      %add3A_55 = arith.addi %add3A_54, %mul3A_53 : i32
      %add3A_56 = vector.broadcast %add3A_55 : i32 to vector<16xi32>
      %add3A_57 = arith.addi %mul3A_1, %add3A_56 : vector<16xi32>
      %gather3A = tpu.vector_load_idx %arg7[%add3A_57] : memref<5128xf32, #tpu.memory_space<vmem>>[vector<16xi32>], vector<16xf32>,
      %add3A_58 = arith.constant 1 : i32
      %add3A_59 = vector.broadcast %add3A_58 : i32 to vector<16xi32>
      %add3A_60 = arith.addi %add3A_57, %add3A_59 : vector<16xi32>
      %gather3A_61 = tpu.vector_load_idx %arg7[%add3A_60] : memref<5128xf32, #tpu.memory_space<vmem>>[vector<16xi32>], vector<16xf32>,
      %add3A_62 = arith.constant 2 : i32
      %add3A_63 = vector.broadcast %add3A_62 : i32 to vector<16xi32>
      %add3A_64 = arith.addi %add3A_57, %add3A_63 : vector<16xi32>
      %gather3A_65 = tpu.vector_load_idx %arg7[%add3A_64] : memref<5128xf32, #tpu.memory_space<vmem>>[vector<16xi32>], vector<16xf32>,
      %add3A_66 = arith.constant 3 : i32
      %add3A_67 = vector.broadcast %add3A_66 : i32 to vector<16xi32>
      %add3A_68 = arith.addi %add3A_57, %add3A_67 : vector<16xi32>
      %gather3A_69 = tpu.vector_load_idx %arg7[%add3A_68] : memref<5128xf32, #tpu.memory_space<vmem>>[vector<16xi32>], vector<16xf32>,
      %add3A_70 = arith.addf %gather3A, %gather3A_65 : vector<16xf32>
      %add3A_71 = arith.addf %gather3A_61, %gather3A_69 : vector<16xf32>
      %mul3A_72 = arith.mulf %add3A_70, %add3A_71 : vector<16xf32>
      %add3A_73 = arith.addf %get3A_39, %get3A_47 : vector<16xf32>
      %add3A_74 = arith.addf %get3A_43, %get3A_51 : vector<16xf32>
      %mul3A_75 = arith.mulf %add3A_73, %add3A_74 : vector<16xf32>
      %min3A = arith.minimumf %get3A_39, %gather3A : vector<16xf32>
      %min3A_76 = arith.minimumf %get3A_47, %gather3A_65 : vector<16xf32>
      %add3A_77 = arith.addf %min3A, %min3A_76 : vector<16xf32>
      %min3A_78 = arith.minimumf %get3A_51, %gather3A_69 : vector<16xf32>
      %min3A_79 = arith.minimumf %get3A_43, %gather3A_61 : vector<16xf32>
      %add3A_80 = arith.addf %min3A_78, %min3A_79 : vector<16xf32>
      %mul3A_81 = arith.mulf %add3A_77, %add3A_80 : vector<16xf32>
      %add3A_82 = arith.addf %mul3A_72, %mul3A_75 : vector<16xf32>
      %sub3A = arith.subf %add3A_82, %mul3A_81 : vector<16xf32>
      %add3A_83 = arith.constant 1.000000e+00 : f32
      %add3A_84 = vector.broadcast %add3A_83 : f32 to vector<16xf32>
      %add3A_85 = arith.addf %mul3A_81, %add3A_84 : vector<16xf32>
      %add3A_86 = arith.constant 1.000000e+00 : f32
      %add3A_87 = vector.broadcast %add3A_86 : f32 to vector<16xf32>
      %add3A_88 = arith.addf %sub3A, %add3A_87 : vector<16xf32>
      %div3A = arith.divf %add3A_85, %add3A_88 : vector<16xf32>
      %bitcast3A = vector.bitcast %div3A : vector<16xf32> to vector<16xi32>
      %shift_right_arithmetic3A = arith.constant 23 : i32
      %shift_right_arithmetic3A_89 = vector.broadcast %shift_right_arithmetic3A : i32 to vector<16xi32>
      %shift_right_arithmetic3A_90 = arith.shrsi %bitcast3A, %shift_right_arithmetic3A_89 : vector<16xi32>
      %sub3A_91 = arith.constant 127 : i32
      %sub3A_92 = vector.broadcast %sub3A_91 : i32 to vector<16xi32>
      %sub3A_93 = arith.subi %shift_right_arithmetic3A_90, %sub3A_92 : vector<16xi32>
      %and3A = arith.constant 8388607 : i32
      %and3A_94 = vector.broadcast %and3A : i32 to vector<16xi32>
      %and3A_95 = arith.andi %bitcast3A, %and3A_94 : vector<16xi32>
      %or3A = arith.constant 1065353216 : i32
      %or3A_96 = vector.broadcast %or3A : i32 to vector<16xi32>
      %or3A_97 = arith.ori %and3A_95, %or3A_96 : vector<16xi32>
      %bitcast3A_98 = vector.bitcast %or3A_97 : vector<16xi32> to vector<16xf32>
      %gt3A = arith.constant 1.41421354 : f32
      %gt3A_99 = vector.broadcast %gt3A : f32 to vector<16xf32>
      %gt3A_100 = arith.cmpf ogt, %bitcast3A_98, %gt3A_99 : vector<16xf32>
      %mul3A_101 = arith.constant 5.000000e-01 : f32
      %mul3A_102 = vector.broadcast %mul3A_101 : f32 to vector<16xf32>
      %mul3A_103 = arith.mulf %bitcast3A_98, %mul3A_102 : vector<16xf32>
      %select_n3A = arith.select %gt3A_100, %mul3A_103, %bitcast3A_98 : vector<16xi1>, vector<16xf32>
      %convert_element_type3A_104 = arith.sitofp %sub3A_93 : vector<16xi32> to vector<16xf32>
      %jit3A = arith.constant 1.000000e+00 : f32
      %jit3A_105 = arith.constant 0.000000e+00 : f32
      %broadcast_in_dim3A_106 = vector.broadcast %jit3A : f32 to vector<16xf32>
      %broadcast_in_dim3A_107 = vector.broadcast %jit3A_105 : f32 to vector<16xf32>
      %select_n3A_108 = arith.select %gt3A_100, %broadcast_in_dim3A_106, %broadcast_in_dim3A_107 : vector<16xi1>, vector<16xf32>
      %add3A_109 = arith.addf %convert_element_type3A_104, %select_n3A_108 : vector<16xf32>
      %sub3A_110 = arith.constant 1.000000e+00 : f32
      %sub3A_111 = vector.broadcast %sub3A_110 : f32 to vector<16xf32>
      %sub3A_112 = arith.subf %select_n3A, %sub3A_111 : vector<16xf32>
      %add3A_113 = arith.constant 1.000000e+00 : f32
      %add3A_114 = vector.broadcast %add3A_113 : f32 to vector<16xf32>
      %add3A_115 = arith.addf %select_n3A, %add3A_114 : vector<16xf32>
      %div3A_116 = arith.divf %sub3A_112, %add3A_115 : vector<16xf32>
      %mul3A_117 = arith.mulf %div3A_116, %div3A_116 : vector<16xf32>
      %mul3A_118 = arith.constant 0.285714298 : f32
      %mul3A_119 = vector.broadcast %mul3A_118 : f32 to vector<16xf32>
      %mul3A_120 = arith.mulf %mul3A_117, %mul3A_119 : vector<16xf32>
      %add3A_121 = arith.constant 4.000000e-01 : f32
      %add3A_122 = vector.broadcast %add3A_121 : f32 to vector<16xf32>
      %add3A_123 = arith.addf %add3A_122, %mul3A_120 : vector<16xf32>
      %mul3A_124 = arith.mulf %mul3A_117, %add3A_123 : vector<16xf32>
      %add3A_125 = arith.constant 0.666666686 : f32
      %add3A_126 = vector.broadcast %add3A_125 : f32 to vector<16xf32>
      %add3A_127 = arith.addf %add3A_126, %mul3A_124 : vector<16xf32>
      %mul3A_128 = arith.mulf %mul3A_117, %add3A_127 : vector<16xf32>
      %add3A_129 = arith.constant 2.000000e+00 : f32
      %add3A_130 = vector.broadcast %add3A_129 : f32 to vector<16xf32>
      %add3A_131 = arith.addf %add3A_130, %mul3A_128 : vector<16xf32>
      %mul3A_132 = arith.mulf %div3A_116, %add3A_131 : vector<16xf32>
      %mul3A_133 = arith.constant 0.693147182 : f32
      %mul3A_134 = vector.broadcast %mul3A_133 : f32 to vector<16xf32>
      %mul3A_135 = arith.mulf %add3A_109, %mul3A_134 : vector<16xf32>
      %add3A_136 = arith.addf %mul3A_135, %mul3A_132 : vector<16xf32>
      %gt3A_137 = arith.constant 0.000000e+00 : f32
      %gt3A_138 = vector.broadcast %gt3A_137 : f32 to vector<16xf32>
      %gt3A_139 = arith.cmpf ogt, %get3A_35, %gt3A_138 : vector<16xf32>
      %and3A_140 = arith.andi %gt3A_139, %lt3A_32 : vector<16xi1>
      %select_n3A_141 = arith.select %and3A_140, %add3A_136, %broadcast_in_dim3A_2 : vector<16xi1>, vector<16xf32>
      %add3A_142 = arith.addf %scan3A_26, %select_n3A_141 : vector<16xf32>
      %select_n3A_143 = arith.select %and3A_140, %broadcast_in_dim3A_4, %broadcast_in_dim3A_2 : vector<16xi1>, vector<16xf32>
      %add3A_144 = arith.addf %scan3A_27, %select_n3A_143 : vector<16xf32>
      scf.yield %add3A_142, %add3A_144 : vector<16xf32>, vector<16xf32>
    }
    %scan3A_9 = arith.constant 40 : i32
    %scan3A_10 = arith.constant 0 : i32
    %scan3A_11 = arith.constant 40 : i32
    %scan3A_12 = arith.addi %scan3A_10, %scan3A_11 : i32
    %scan3A_13 = arith.constant 1 : i32
    %scan3A_14:2 = scf.for %scan3A_25 = %scan3A_10 to %scan3A_12 step %scan3A_13 iter_args(%scan3A_26 = %scan3A_8#0, %scan3A_27 = %scan3A_8#1) -> (vector<16xf32>, vector<16xf32>)  : i32 {
      %mul3A_28 = arith.constant 16 : i32
      %mul3A_29 = arith.muli %scan3A_25, %mul3A_28 : i32
      %add3A = vector.broadcast %mul3A_29 : i32 to vector<16xi32>
      %add3A_30 = arith.addi %iota3A, %add3A : vector<16xi32>
      %lt3A = arith.constant 625 : i32
      %lt3A_31 = vector.broadcast %lt3A : i32 to vector<16xi32>
      %lt3A_32 = arith.cmpi slt, %add3A_30, %lt3A_31 : vector<16xi32>
      %add3A_33 = arith.constant 625 : i32
      %add3A_34 = arith.addi %add3A_33, %mul3A_29 : i32
      %get3A = arith.index_cast %add3A_34 : i32 to index
      %get3A_35 = tpu.vector_load %arg8[%get3A] {strides = array<i32>} : memref<1282xf32, #tpu.memory_space<vmem>>, vector<16xf32>,
      %add3A_36 = arith.constant 2500 : i32
      %add3A_37 = arith.addi %add3A_36, %mul3A_29 : i32
      %get3A_38 = arith.index_cast %add3A_37 : i32 to index
      %get3A_39 = tpu.vector_load %arg6[%get3A_38] {strides = array<i32>} : memref<5128xf32, #tpu.memory_space<vmem>>, vector<16xf32>,
      %add3A_40 = arith.constant 3125 : i32
      %add3A_41 = arith.addi %add3A_40, %mul3A_29 : i32
      %get3A_42 = arith.index_cast %add3A_41 : i32 to index
      %get3A_43 = tpu.vector_load %arg6[%get3A_42] {strides = array<i32>} : memref<5128xf32, #tpu.memory_space<vmem>>, vector<16xf32>,
      %add3A_44 = arith.constant 3750 : i32
      %add3A_45 = arith.addi %add3A_44, %mul3A_29 : i32
      %get3A_46 = arith.index_cast %add3A_45 : i32 to index
      %get3A_47 = tpu.vector_load %arg6[%get3A_46] {strides = array<i32>} : memref<5128xf32, #tpu.memory_space<vmem>>, vector<16xf32>,
      %add3A_48 = arith.constant 4375 : i32
      %add3A_49 = arith.addi %add3A_48, %mul3A_29 : i32
      %get3A_50 = arith.index_cast %add3A_49 : i32 to index
      %get3A_51 = tpu.vector_load %arg6[%get3A_50] {strides = array<i32>} : memref<5128xf32, #tpu.memory_space<vmem>>, vector<16xf32>,
      %mul3A_52 = arith.constant 4 : i32
      %mul3A_53 = arith.muli %mul3A_29, %mul3A_52 : i32
      %add3A_54 = arith.constant 2500 : i32
      %add3A_55 = arith.addi %add3A_54, %mul3A_53 : i32
      %add3A_56 = vector.broadcast %add3A_55 : i32 to vector<16xi32>
      %add3A_57 = arith.addi %mul3A_1, %add3A_56 : vector<16xi32>
      %gather3A = tpu.vector_load_idx %arg7[%add3A_57] : memref<5128xf32, #tpu.memory_space<vmem>>[vector<16xi32>], vector<16xf32>,
      %add3A_58 = arith.constant 1 : i32
      %add3A_59 = vector.broadcast %add3A_58 : i32 to vector<16xi32>
      %add3A_60 = arith.addi %add3A_57, %add3A_59 : vector<16xi32>
      %gather3A_61 = tpu.vector_load_idx %arg7[%add3A_60] : memref<5128xf32, #tpu.memory_space<vmem>>[vector<16xi32>], vector<16xf32>,
      %add3A_62 = arith.constant 2 : i32
      %add3A_63 = vector.broadcast %add3A_62 : i32 to vector<16xi32>
      %add3A_64 = arith.addi %add3A_57, %add3A_63 : vector<16xi32>
      %gather3A_65 = tpu.vector_load_idx %arg7[%add3A_64] : memref<5128xf32, #tpu.memory_space<vmem>>[vector<16xi32>], vector<16xf32>,
      %add3A_66 = arith.constant 3 : i32
      %add3A_67 = vector.broadcast %add3A_66 : i32 to vector<16xi32>
      %add3A_68 = arith.addi %add3A_57, %add3A_67 : vector<16xi32>
      %gather3A_69 = tpu.vector_load_idx %arg7[%add3A_68] : memref<5128xf32, #tpu.memory_space<vmem>>[vector<16xi32>], vector<16xf32>,
      %add3A_70 = arith.addf %gather3A, %gather3A_65 : vector<16xf32>
      %add3A_71 = arith.addf %gather3A_61, %gather3A_69 : vector<16xf32>
      %mul3A_72 = arith.mulf %add3A_70, %add3A_71 : vector<16xf32>
      %add3A_73 = arith.addf %get3A_39, %get3A_47 : vector<16xf32>
      %add3A_74 = arith.addf %get3A_43, %get3A_51 : vector<16xf32>
      %mul3A_75 = arith.mulf %add3A_73, %add3A_74 : vector<16xf32>
      %min3A = arith.minimumf %get3A_39, %gather3A : vector<16xf32>
      %min3A_76 = arith.minimumf %get3A_47, %gather3A_65 : vector<16xf32>
      %add3A_77 = arith.addf %min3A, %min3A_76 : vector<16xf32>
      %min3A_78 = arith.minimumf %get3A_51, %gather3A_69 : vector<16xf32>
      %min3A_79 = arith.minimumf %get3A_43, %gather3A_61 : vector<16xf32>
      %add3A_80 = arith.addf %min3A_78, %min3A_79 : vector<16xf32>
      %mul3A_81 = arith.mulf %add3A_77, %add3A_80 : vector<16xf32>
      %add3A_82 = arith.addf %mul3A_72, %mul3A_75 : vector<16xf32>
      %sub3A = arith.subf %add3A_82, %mul3A_81 : vector<16xf32>
      %add3A_83 = arith.constant 1.000000e+00 : f32
      %add3A_84 = vector.broadcast %add3A_83 : f32 to vector<16xf32>
      %add3A_85 = arith.addf %mul3A_81, %add3A_84 : vector<16xf32>
      %add3A_86 = arith.constant 1.000000e+00 : f32
      %add3A_87 = vector.broadcast %add3A_86 : f32 to vector<16xf32>
      %add3A_88 = arith.addf %sub3A, %add3A_87 : vector<16xf32>
      %div3A = arith.divf %add3A_85, %add3A_88 : vector<16xf32>
      %bitcast3A = vector.bitcast %div3A : vector<16xf32> to vector<16xi32>
      %shift_right_arithmetic3A = arith.constant 23 : i32
      %shift_right_arithmetic3A_89 = vector.broadcast %shift_right_arithmetic3A : i32 to vector<16xi32>
      %shift_right_arithmetic3A_90 = arith.shrsi %bitcast3A, %shift_right_arithmetic3A_89 : vector<16xi32>
      %sub3A_91 = arith.constant 127 : i32
      %sub3A_92 = vector.broadcast %sub3A_91 : i32 to vector<16xi32>
      %sub3A_93 = arith.subi %shift_right_arithmetic3A_90, %sub3A_92 : vector<16xi32>
      %and3A = arith.constant 8388607 : i32
      %and3A_94 = vector.broadcast %and3A : i32 to vector<16xi32>
      %and3A_95 = arith.andi %bitcast3A, %and3A_94 : vector<16xi32>
      %or3A = arith.constant 1065353216 : i32
      %or3A_96 = vector.broadcast %or3A : i32 to vector<16xi32>
      %or3A_97 = arith.ori %and3A_95, %or3A_96 : vector<16xi32>
      %bitcast3A_98 = vector.bitcast %or3A_97 : vector<16xi32> to vector<16xf32>
      %gt3A = arith.constant 1.41421354 : f32
      %gt3A_99 = vector.broadcast %gt3A : f32 to vector<16xf32>
      %gt3A_100 = arith.cmpf ogt, %bitcast3A_98, %gt3A_99 : vector<16xf32>
      %mul3A_101 = arith.constant 5.000000e-01 : f32
      %mul3A_102 = vector.broadcast %mul3A_101 : f32 to vector<16xf32>
      %mul3A_103 = arith.mulf %bitcast3A_98, %mul3A_102 : vector<16xf32>
      %select_n3A = arith.select %gt3A_100, %mul3A_103, %bitcast3A_98 : vector<16xi1>, vector<16xf32>
      %convert_element_type3A_104 = arith.sitofp %sub3A_93 : vector<16xi32> to vector<16xf32>
      %jit3A = arith.constant 1.000000e+00 : f32
      %jit3A_105 = arith.constant 0.000000e+00 : f32
      %broadcast_in_dim3A_106 = vector.broadcast %jit3A : f32 to vector<16xf32>
      %broadcast_in_dim3A_107 = vector.broadcast %jit3A_105 : f32 to vector<16xf32>
      %select_n3A_108 = arith.select %gt3A_100, %broadcast_in_dim3A_106, %broadcast_in_dim3A_107 : vector<16xi1>, vector<16xf32>
      %add3A_109 = arith.addf %convert_element_type3A_104, %select_n3A_108 : vector<16xf32>
      %sub3A_110 = arith.constant 1.000000e+00 : f32
      %sub3A_111 = vector.broadcast %sub3A_110 : f32 to vector<16xf32>
      %sub3A_112 = arith.subf %select_n3A, %sub3A_111 : vector<16xf32>
      %add3A_113 = arith.constant 1.000000e+00 : f32
      %add3A_114 = vector.broadcast %add3A_113 : f32 to vector<16xf32>
      %add3A_115 = arith.addf %select_n3A, %add3A_114 : vector<16xf32>
      %div3A_116 = arith.divf %sub3A_112, %add3A_115 : vector<16xf32>
      %mul3A_117 = arith.mulf %div3A_116, %div3A_116 : vector<16xf32>
      %mul3A_118 = arith.constant 0.285714298 : f32
      %mul3A_119 = vector.broadcast %mul3A_118 : f32 to vector<16xf32>
      %mul3A_120 = arith.mulf %mul3A_117, %mul3A_119 : vector<16xf32>
      %add3A_121 = arith.constant 4.000000e-01 : f32
      %add3A_122 = vector.broadcast %add3A_121 : f32 to vector<16xf32>
      %add3A_123 = arith.addf %add3A_122, %mul3A_120 : vector<16xf32>
      %mul3A_124 = arith.mulf %mul3A_117, %add3A_123 : vector<16xf32>
      %add3A_125 = arith.constant 0.666666686 : f32
      %add3A_126 = vector.broadcast %add3A_125 : f32 to vector<16xf32>
      %add3A_127 = arith.addf %add3A_126, %mul3A_124 : vector<16xf32>
      %mul3A_128 = arith.mulf %mul3A_117, %add3A_127 : vector<16xf32>
      %add3A_129 = arith.constant 2.000000e+00 : f32
      %add3A_130 = vector.broadcast %add3A_129 : f32 to vector<16xf32>
      %add3A_131 = arith.addf %add3A_130, %mul3A_128 : vector<16xf32>
      %mul3A_132 = arith.mulf %div3A_116, %add3A_131 : vector<16xf32>
      %mul3A_133 = arith.constant 0.693147182 : f32
      %mul3A_134 = vector.broadcast %mul3A_133 : f32 to vector<16xf32>
      %mul3A_135 = arith.mulf %add3A_109, %mul3A_134 : vector<16xf32>
      %add3A_136 = arith.addf %mul3A_135, %mul3A_132 : vector<16xf32>
      %gt3A_137 = arith.constant 0.000000e+00 : f32
      %gt3A_138 = vector.broadcast %gt3A_137 : f32 to vector<16xf32>
      %gt3A_139 = arith.cmpf ogt, %get3A_35, %gt3A_138 : vector<16xf32>
      %and3A_140 = arith.andi %gt3A_139, %lt3A_32 : vector<16xi1>
      %select_n3A_141 = arith.select %and3A_140, %add3A_136, %broadcast_in_dim3A_2 : vector<16xi1>, vector<16xf32>
      %add3A_142 = arith.addf %scan3A_26, %select_n3A_141 : vector<16xf32>
      %select_n3A_143 = arith.select %and3A_140, %broadcast_in_dim3A_4, %broadcast_in_dim3A_2 : vector<16xi1>, vector<16xf32>
      %add3A_144 = arith.addf %scan3A_27, %select_n3A_143 : vector<16xf32>
      scf.yield %add3A_142, %add3A_144 : vector<16xf32>, vector<16xf32>
    }
    %scan3A_15 = arith.constant 40 : i32
    %swap3A = arith.constant 0 : index
    %swap3A_16 = tpu.vector_load %arg9[%swap3A] {strides = array<i32>} : memref<32xf32, #tpu.memory_space<vmem>>, vector<16xf32>,
    tpu.vector_store %arg9[%swap3A], %scan3A_14#0 {strides = array<i32>} : memref<32xf32, #tpu.memory_space<vmem>>, vector<16xf32>,
    %swap3A_17 = arith.constant 16 : index
    %swap3A_18 = tpu.vector_load %arg9[%swap3A_17] {strides = array<i32>} : memref<32xf32, #tpu.memory_space<vmem>>, vector<16xf32>,
    tpu.vector_store %arg9[%swap3A_17], %scan3A_14#1 {strides = array<i32>} : memref<32xf32, #tpu.memory_space<vmem>>, vector<16xf32>,
    %mul3A_19 = arith.constant 2 : i32
    %mul3A_20 = arith.muli %arg1, %mul3A_19 : i32
    %mul3A_21 = arith.constant 16 : i32
    %mul3A_22 = arith.muli %mul3A_20, %mul3A_21 : i32
    "tpu.region"() ({
      %run_scoped3A = tpu.sem_alloc : memref<!tpu.dma_semaphore, #tpu.memory_space<semaphore_mem>>
      %dma_start3A = tpu.memref_slice %arg12[%mul3A_22] : memref<512xf32, #tpu.memory_space<vmem_shared>> -> memref<32xf32, #tpu.memory_space<vmem_shared>>
      %dma_start3A_25 = tpu.memref_slice %arg12[%mul3A_22] : memref<512xf32, #tpu.memory_space<vmem_shared>> -> memref<32xf32, #tpu.memory_space<vmem_shared>>
      tpu.enqueue_dma source(%arg9 : memref<32xf32, #tpu.memory_space<vmem>>) target(%dma_start3A_25 : memref<32xf32, #tpu.memory_space<vmem_shared>>) target_semaphore(%run_scoped3A : memref<!tpu.dma_semaphore, #tpu.memory_space<semaphore_mem>>)
      %dma_wait3A = tpu.memref_slice %arg12[%mul3A_22] : memref<512xf32, #tpu.memory_space<vmem_shared>> -> memref<32xf32, #tpu.memory_space<vmem_shared>>
      %dma_wait3A_26 = tpu.memref_slice %arg12[%mul3A_22] : memref<512xf32, #tpu.memory_space<vmem_shared>> -> memref<32xf32, #tpu.memory_space<vmem_shared>>
      tpu.wait_dma2 semaphore(%run_scoped3A : memref<!tpu.dma_semaphore, #tpu.memory_space<semaphore_mem>>) src(%arg9 : memref<32xf32, #tpu.memory_space<vmem>>) dst(%dma_wait3A_26 : memref<32xf32, #tpu.memory_space<vmem_shared>>)
      tpu.yield
    }) : () -> ()
    %barrier3A = arith.constant 0 : index
    tpu.barrier barrier_id(%barrier3A)
    %eq3A = arith.constant 0 : i32
    %eq3A_23 = arith.cmpi eq, %arg1, %eq3A : i32
    %convert_element_type3A = arith.extui %eq3A_23 : i1 to i32
    %cond3A = arith.constant 0 : i32
    %cond3A_24 = arith.cmpi ne, %convert_element_type3A, %cond3A : i32
    scf.if %cond3A_24 {
      "tpu.region"() ({
        %run_scoped3A = tpu.sem_alloc : memref<!tpu.dma_semaphore, #tpu.memory_space<semaphore_mem>>
        tpu.enqueue_dma source(%arg12 : memref<512xf32, #tpu.memory_space<vmem_shared>>) target(%arg10 : memref<512xf32, #tpu.memory_space<vmem>>) target_semaphore(%run_scoped3A : memref<!tpu.dma_semaphore, #tpu.memory_space<semaphore_mem>>)
        tpu.wait_dma2 semaphore(%run_scoped3A : memref<!tpu.dma_semaphore, #tpu.memory_space<semaphore_mem>>) src(%arg12 : memref<512xf32, #tpu.memory_space<vmem_shared>>) dst(%arg10 : memref<512xf32, #tpu.memory_space<vmem>>)
        tpu.yield
      }) : () -> ()
      %broadcast_in_dim3A_25 = arith.constant 0.000000e+00 : f32
      %broadcast_in_dim3A_26 = vector.broadcast %broadcast_in_dim3A_25 : f32 to vector<16xf32>
      %broadcast_in_dim3A_27 = arith.constant 0.000000e+00 : f32
      %broadcast_in_dim3A_28 = vector.broadcast %broadcast_in_dim3A_27 : f32 to vector<16xf32>
      %get3A = arith.constant 0 : index
      %get3A_29 = tpu.vector_load %arg10[%get3A] {strides = array<i32>} : memref<512xf32, #tpu.memory_space<vmem>>, vector<16xf32>,
      %add3A = arith.addf %broadcast_in_dim3A_26, %get3A_29 : vector<16xf32>
      %get3A_30 = arith.constant 16 : index
      %get3A_31 = tpu.vector_load %arg10[%get3A_30] {strides = array<i32>} : memref<512xf32, #tpu.memory_space<vmem>>, vector<16xf32>,
      %add3A_32 = arith.addf %broadcast_in_dim3A_28, %get3A_31 : vector<16xf32>
      %get3A_33 = arith.constant 32 : index
      %get3A_34 = tpu.vector_load %arg10[%get3A_33] {strides = array<i32>} : memref<512xf32, #tpu.memory_space<vmem>>, vector<16xf32>,
      %add3A_35 = arith.addf %add3A, %get3A_34 : vector<16xf32>
      %get3A_36 = arith.constant 48 : index
      %get3A_37 = tpu.vector_load %arg10[%get3A_36] {strides = array<i32>} : memref<512xf32, #tpu.memory_space<vmem>>, vector<16xf32>,
      %add3A_38 = arith.addf %add3A_32, %get3A_37 : vector<16xf32>
      %get3A_39 = arith.constant 64 : index
      %get3A_40 = tpu.vector_load %arg10[%get3A_39] {strides = array<i32>} : memref<512xf32, #tpu.memory_space<vmem>>, vector<16xf32>,
      %add3A_41 = arith.addf %add3A_35, %get3A_40 : vector<16xf32>
      %get3A_42 = arith.constant 80 : index
      %get3A_43 = tpu.vector_load %arg10[%get3A_42] {strides = array<i32>} : memref<512xf32, #tpu.memory_space<vmem>>, vector<16xf32>,
      %add3A_44 = arith.addf %add3A_38, %get3A_43 : vector<16xf32>
      %get3A_45 = arith.constant 96 : index
      %get3A_46 = tpu.vector_load %arg10[%get3A_45] {strides = array<i32>} : memref<512xf32, #tpu.memory_space<vmem>>, vector<16xf32>,
      %add3A_47 = arith.addf %add3A_41, %get3A_46 : vector<16xf32>
      %get3A_48 = arith.constant 112 : index
      %get3A_49 = tpu.vector_load %arg10[%get3A_48] {strides = array<i32>} : memref<512xf32, #tpu.memory_space<vmem>>, vector<16xf32>,
      %add3A_50 = arith.addf %add3A_44, %get3A_49 : vector<16xf32>
      %get3A_51 = arith.constant 128 : index
      %get3A_52 = tpu.vector_load %arg10[%get3A_51] {strides = array<i32>} : memref<512xf32, #tpu.memory_space<vmem>>, vector<16xf32>,
      %add3A_53 = arith.addf %add3A_47, %get3A_52 : vector<16xf32>
      %get3A_54 = arith.constant 144 : index
      %get3A_55 = tpu.vector_load %arg10[%get3A_54] {strides = array<i32>} : memref<512xf32, #tpu.memory_space<vmem>>, vector<16xf32>,
      %add3A_56 = arith.addf %add3A_50, %get3A_55 : vector<16xf32>
      %get3A_57 = arith.constant 160 : index
      %get3A_58 = tpu.vector_load %arg10[%get3A_57] {strides = array<i32>} : memref<512xf32, #tpu.memory_space<vmem>>, vector<16xf32>,
      %add3A_59 = arith.addf %add3A_53, %get3A_58 : vector<16xf32>
      %get3A_60 = arith.constant 176 : index
      %get3A_61 = tpu.vector_load %arg10[%get3A_60] {strides = array<i32>} : memref<512xf32, #tpu.memory_space<vmem>>, vector<16xf32>,
      %add3A_62 = arith.addf %add3A_56, %get3A_61 : vector<16xf32>
      %get3A_63 = arith.constant 192 : index
      %get3A_64 = tpu.vector_load %arg10[%get3A_63] {strides = array<i32>} : memref<512xf32, #tpu.memory_space<vmem>>, vector<16xf32>,
      %add3A_65 = arith.addf %add3A_59, %get3A_64 : vector<16xf32>
      %get3A_66 = arith.constant 208 : index
      %get3A_67 = tpu.vector_load %arg10[%get3A_66] {strides = array<i32>} : memref<512xf32, #tpu.memory_space<vmem>>, vector<16xf32>,
      %add3A_68 = arith.addf %add3A_62, %get3A_67 : vector<16xf32>
      %get3A_69 = arith.constant 224 : index
      %get3A_70 = tpu.vector_load %arg10[%get3A_69] {strides = array<i32>} : memref<512xf32, #tpu.memory_space<vmem>>, vector<16xf32>,
      %add3A_71 = arith.addf %add3A_65, %get3A_70 : vector<16xf32>
      %get3A_72 = arith.constant 240 : index
      %get3A_73 = tpu.vector_load %arg10[%get3A_72] {strides = array<i32>} : memref<512xf32, #tpu.memory_space<vmem>>, vector<16xf32>,
      %add3A_74 = arith.addf %add3A_68, %get3A_73 : vector<16xf32>
      %get3A_75 = arith.constant 256 : index
      %get3A_76 = tpu.vector_load %arg10[%get3A_75] {strides = array<i32>} : memref<512xf32, #tpu.memory_space<vmem>>, vector<16xf32>,
      %add3A_77 = arith.addf %add3A_71, %get3A_76 : vector<16xf32>
      %get3A_78 = arith.constant 272 : index
      %get3A_79 = tpu.vector_load %arg10[%get3A_78] {strides = array<i32>} : memref<512xf32, #tpu.memory_space<vmem>>, vector<16xf32>,
      %add3A_80 = arith.addf %add3A_74, %get3A_79 : vector<16xf32>
      %get3A_81 = arith.constant 288 : index
      %get3A_82 = tpu.vector_load %arg10[%get3A_81] {strides = array<i32>} : memref<512xf32, #tpu.memory_space<vmem>>, vector<16xf32>,
      %add3A_83 = arith.addf %add3A_77, %get3A_82 : vector<16xf32>
      %get3A_84 = arith.constant 304 : index
      %get3A_85 = tpu.vector_load %arg10[%get3A_84] {strides = array<i32>} : memref<512xf32, #tpu.memory_space<vmem>>, vector<16xf32>,
      %add3A_86 = arith.addf %add3A_80, %get3A_85 : vector<16xf32>
      %get3A_87 = arith.constant 320 : index
      %get3A_88 = tpu.vector_load %arg10[%get3A_87] {strides = array<i32>} : memref<512xf32, #tpu.memory_space<vmem>>, vector<16xf32>,
      %add3A_89 = arith.addf %add3A_83, %get3A_88 : vector<16xf32>
      %get3A_90 = arith.constant 336 : index
      %get3A_91 = tpu.vector_load %arg10[%get3A_90] {strides = array<i32>} : memref<512xf32, #tpu.memory_space<vmem>>, vector<16xf32>,
      %add3A_92 = arith.addf %add3A_86, %get3A_91 : vector<16xf32>
      %get3A_93 = arith.constant 352 : index
      %get3A_94 = tpu.vector_load %arg10[%get3A_93] {strides = array<i32>} : memref<512xf32, #tpu.memory_space<vmem>>, vector<16xf32>,
      %add3A_95 = arith.addf %add3A_89, %get3A_94 : vector<16xf32>
      %get3A_96 = arith.constant 368 : index
      %get3A_97 = tpu.vector_load %arg10[%get3A_96] {strides = array<i32>} : memref<512xf32, #tpu.memory_space<vmem>>, vector<16xf32>,
      %add3A_98 = arith.addf %add3A_92, %get3A_97 : vector<16xf32>
      %get3A_99 = arith.constant 384 : index
      %get3A_100 = tpu.vector_load %arg10[%get3A_99] {strides = array<i32>} : memref<512xf32, #tpu.memory_space<vmem>>, vector<16xf32>,
      %add3A_101 = arith.addf %add3A_95, %get3A_100 : vector<16xf32>
      %get3A_102 = arith.constant 400 : index
      %get3A_103 = tpu.vector_load %arg10[%get3A_102] {strides = array<i32>} : memref<512xf32, #tpu.memory_space<vmem>>, vector<16xf32>,
      %add3A_104 = arith.addf %add3A_98, %get3A_103 : vector<16xf32>
      %get3A_105 = arith.constant 416 : index
      %get3A_106 = tpu.vector_load %arg10[%get3A_105] {strides = array<i32>} : memref<512xf32, #tpu.memory_space<vmem>>, vector<16xf32>,
      %add3A_107 = arith.addf %add3A_101, %get3A_106 : vector<16xf32>
      %get3A_108 = arith.constant 432 : index
      %get3A_109 = tpu.vector_load %arg10[%get3A_108] {strides = array<i32>} : memref<512xf32, #tpu.memory_space<vmem>>, vector<16xf32>,
      %add3A_110 = arith.addf %add3A_104, %get3A_109 : vector<16xf32>
      %get3A_111 = arith.constant 448 : index
      %get3A_112 = tpu.vector_load %arg10[%get3A_111] {strides = array<i32>} : memref<512xf32, #tpu.memory_space<vmem>>, vector<16xf32>,
      %add3A_113 = arith.addf %add3A_107, %get3A_112 : vector<16xf32>
      %get3A_114 = arith.constant 464 : index
      %get3A_115 = tpu.vector_load %arg10[%get3A_114] {strides = array<i32>} : memref<512xf32, #tpu.memory_space<vmem>>, vector<16xf32>,
      %add3A_116 = arith.addf %add3A_110, %get3A_115 : vector<16xf32>
      %get3A_117 = arith.constant 480 : index
      %get3A_118 = tpu.vector_load %arg10[%get3A_117] {strides = array<i32>} : memref<512xf32, #tpu.memory_space<vmem>>, vector<16xf32>,
      %add3A_119 = arith.addf %add3A_113, %get3A_118 : vector<16xf32>
      %get3A_120 = arith.constant 496 : index
      %get3A_121 = tpu.vector_load %arg10[%get3A_120] {strides = array<i32>} : memref<512xf32, #tpu.memory_space<vmem>>, vector<16xf32>,
      %add3A_122 = arith.addf %add3A_116, %get3A_121 : vector<16xf32>
      %reduce_sum3A = arith.constant true
      %reduce_sum3A_123 = vector.broadcast %reduce_sum3A : i1 to vector<16xi1>
      %reduce_sum3A_124 = tpu.scan <sum>, %add3A_119 masked %reduce_sum3A_123 : vector<16xf32>, vector<16xi1> -> vector<16xf32>
      %reduce_sum3A_125 = vector.extract %reduce_sum3A_124[15] : f32 from vector<16xf32>
      %broadcast_in_dim3A_126 = vector.broadcast %reduce_sum3A_125 : f32 to vector<16xf32>
      %reduce_sum3A_127 = arith.constant true
      %reduce_sum3A_128 = vector.broadcast %reduce_sum3A_127 : i1 to vector<16xi1>
      %reduce_sum3A_129 = tpu.scan <sum>, %add3A_122 masked %reduce_sum3A_128 : vector<16xf32>, vector<16xi1> -> vector<16xf32>
      %reduce_sum3A_130 = vector.extract %reduce_sum3A_129[15] : f32 from vector<16xf32>
      %broadcast_in_dim3A_131 = vector.broadcast %reduce_sum3A_130 : f32 to vector<16xf32>
      %neg3A = arith.constant 0.000000e+00 : f32
      %neg3A_132 = vector.broadcast %neg3A : f32 to vector<16xf32>
      %neg3A_133 = arith.subf %neg3A_132, %broadcast_in_dim3A_126 : vector<16xf32>
      %max3A = arith.constant 1.000000e+00 : f32
      %max3A_134 = vector.broadcast %max3A : f32 to vector<16xf32>
      %max3A_135 = arith.maximumf %broadcast_in_dim3A_131, %max3A_134 : vector<16xf32>
      %div3A = arith.divf %neg3A_133, %max3A_135 : vector<16xf32>
      %swap3A_136 = arith.constant 0 : index
      %swap3A_137 = tpu.vector_load %arg11[%swap3A_136] {strides = array<i32>} : memref<16xf32, #tpu.memory_space<vmem>>, vector<16xf32>,
      tpu.vector_store %arg11[%swap3A_136], %div3A {strides = array<i32>} : memref<16xf32, #tpu.memory_space<vmem>>, vector<16xf32>,
      "tpu.region"() ({
        %run_scoped3A = tpu.sem_alloc : memref<!tpu.dma_semaphore, #tpu.memory_space<semaphore_mem>>
        tpu.enqueue_dma source(%arg11 : memref<16xf32, #tpu.memory_space<vmem>>) target(%arg5 : memref<16xf32, #tpu.memory_space<hbm>>) target_semaphore(%run_scoped3A : memref<!tpu.dma_semaphore, #tpu.memory_space<semaphore_mem>>)
        tpu.wait_dma2 semaphore(%run_scoped3A : memref<!tpu.dma_semaphore, #tpu.memory_space<semaphore_mem>>) src(%arg11 : memref<16xf32, #tpu.memory_space<vmem>>) dst(%arg5 : memref<16xf32, #tpu.memory_space<hbm>>)
        tpu.yield
      }) : () -> ()
    } else {
    }
    return
  }
}

</mosaic_0001>

<sc_bundles>
// kernel: _iou_loss.3.cloned.1.call-start
scs
__scs_entry_jumppad:
0x0: {  	(pc) =	sbr.rel $0x88, $3  }
0x1: {  	(tag) =	ssettag $0x0;
	lr =	simm.s32 $0x1  }
0x2: {  	[smem:$0x3F9E] =	sst lr;
	_ =	strace $0xD0000000  }
0x3: {  	_ = 	snop  }
0x4: {  	_ = 	snop  }
0x5: {  	_ = 	snop  }
0x6: {  	_ = 	snop  }
0x7: {  	_ = 	snop  }
__scs_overlays_trampoline_lowered:
0x8: {  	[smem:$0x3FAD] =	sst s0  }
0x9: {  	[smem:$0x3FAE] =	sst s1  }
0xa: {  	[smem:$0x3FAF] =	sst s2  }
0xb: {  	[smem:$0x3FB0] =	sst s3  }
0xc: {  	[smem:$0x3FB1] =	sst s4  }
0xd: {  	[smem:$0x3FB2] =	sst s5  }
0xe: {  	[smem:$0x3FB3] =	sst s6  }
0xf: {  	[smem:$0x3FB4] =	sst s7  }
0x10: {  	[smem:$0x3FB5] =	sst s8  }
0x11: {  	[smem:$0x3FB6] =	sst s9;
	s0 =	simm.s32 @!p0 $0x0  }
0x12: {  	s1 =	sld [smem:$0x3F9C];
	s0 =	simm.s32 @p0 $0x1  }
0x13: {  	[smem:$0x3FB7] =	sst s0;
	s0 =	simm.s32 @!p1 $0x0  }
0x14: {  	s2 =	sld [smem:$0x3F9B];
	s0 =	simm.s32 @p1 $0x1  }
0x15: {  	[smem:$0x3FB8] =	sst s0;
	s0 =	simm.s32 @!p2 $0x0  }
0x16: {  	s3 =	sld [smem:$0x3FDB];
	s0 =	simm.s32 @p2 $0x1  }
0x17: {  	s4 =	simm.s32 $0x1BF5;
	[smem:$0x3FBA] =	sst s0  }
0x18: {  	s0 =	sld [smem:$0x3F9D];
	_ =	swait.ge [sflag:s4], $0x0  }
0x19: {  	s7 =	sld [smem:$0x3F9E]  }
0x1a: {  	s8 =	sadd.s32 $0xFFFFE003, lr  }
0x1b: {  	s9 =	sadd.s32 $0xFFFFFEF7, lr;
	s5 =	simm.s32 $0xFFFFFFFF;
	p2 =	slt.u32 s8, $0xFFFFF086  }
0x1c: {  	p1 =	slt.u32 s9, $0xF7A;
	s5 =	simm.s32 @!p2 $0x0  }
0x1d: {  	s5 =	simm.s32 @p1 $0x1;
	p0 =	seq.s32 s7, s2  }
0x1e: {  	s7 =	smul.u32 @!p0 $0xF7A, s2;
	p2 =	seq.s32 @!p0 s5, $0x0  }
0x1f: {  	s9 =	smul.u32 $0xF7A, s1;
	s8 =	simm.s32 @!p0 $0x1BF5;
	p2 =	por !p2, p0  }
0x20: {  	[sflag:s8] =	ssyncset.s32 @!p0 $0xFFFFF086;
	s6 =	sadd.s32 @!p0 s3, s7;
	s7 =	simm.s32 @!p0 $0x108  }
0x21: {  	s3 =	sadd.s32 s3, s9;
	s6 =	sadd.s32 @!p0 $0x88, s6;
	s7 =	simm.s32 @p2 $0x1082  }
0x22: {  	[simem:s7], [sflag:s8] =	dma.local @!p0 [hbm:s6], $0xF7A  }
0x23: {  	s9 =	sor.u32 $0xD0000000, s2;
	s6 =	simm.s32 $0x108;
	_ =	swait.ge @!p0 [sflag:s8], $0x0  }
0x24: {  	s3 =	sadd.s32 $0x88, s3;
	s6 =	simm.s32 @!p1 $0x1082;
	[sflag:s4] =	ssyncset.s32 $0xFFFFF086  }
0x25: {  	[simem:s6], [sflag:s4] =	dma.local [hbm:s3], $0xF7A  }
0x26: {  	[smem:$0x3F9E] =	sst s1;
	(tag) =	ssettag s2;
	_ =	strace s9  }
0x27: {  	s1 =	sld [smem:$0x3FAE]  }
0x28: {  	s2 =	sld [smem:$0x3FAF]  }
0x29: {  	s4 =	sld [smem:$0x3FB1]  }
0x2a: {  	p0 =	seq.s32 s5, $0x0;
	s5 =	sld [smem:$0x3FB2]  }
0x2b: {  	s6 =	sld [smem:$0x3FB3]  }
0x2c: {  	s7 =	sld [smem:$0x3FB4]  }
0x2d: {  	s3 =	simm.s32 $0x108;
	s8 =	sld [smem:$0x3FB5]  }
0x2e: {  	s3 =	simm.s32 @!p0 $0x1082;
	s9 =	sld [smem:$0x3FB6]  }
0x2f: {  	lr =	sadd.s32 s0, s3;
	s0 =	sld [smem:$0x3FAD]  }
0x30: {  	s3 =	sld [smem:$0x3FB0]  }
0x31: {  	[smem:$0x3FB9] =	sst s10  }
0x32: {  	s10 =	sld [smem:$0x3FB7];
	_ =	sdelay $0x3  }
0x33: {  	p0 =	seq.s32 s10, $0x1;
	s10 =	sld [smem:$0x3FB9];
	_ =	sdelay $0x3  }
0x34: {  	[smem:$0x3FB9] =	sst s10  }
0x35: {  	s10 =	sld [smem:$0x3FB8];
	_ =	sdelay $0x3  }
0x36: {  	p1 =	seq.s32 s10, $0x1;
	s10 =	sld [smem:$0x3FB9];
	_ =	sdelay $0x3  }
0x37: {  	[smem:$0x3FB9] =	sst s10  }
0x38: {  	s10 =	sld [smem:$0x3FBA]  }
0x39: {  	_ = 	snop;
	(pc) =	sbr.ind lr, $3  }
0x3a: {  	_ = 	snop  }
0x3b: {  	_ = 	snop  }
0x3c: {  	p2 =	seq.s32 s10, $0x1;
	s10 =	sld [smem:$0x3FB9]  }
0x3d: {  	_ =	shalt  }
0x3e: {  	_ =	shalt  }
0x3f: {  	_ =	shalt  }
0x40: {  	_ =	shalt  }
0x41: {  	_ =	shalt  }
0x42: {  	_ =	shalt  }
0x43: {  	_ =	shalt  }
0x44: {  	_ =	shalt  }
0x45: {  	_ =	shalt  }
0x46: {  	_ =	shalt  }
0x47: {  	_ =	shalt  }
0x48: {  	_ =	shalt  }
0x49: {  	_ =	shalt  }
0x4a: {  	_ =	shalt  }
0x4b: {  	_ =	shalt  }
0x4c: {  	_ =	shalt  }
0x4d: {  	_ =	shalt  }
0x4e: {  	_ =	shalt  }
0x4f: {  	_ =	shalt  }
0x50: {  	_ =	shalt  }
0x51: {  	_ =	shalt  }
0x52: {  	_ =	shalt  }
0x53: {  	_ =	shalt  }
0x54: {  	_ =	shalt  }
0x55: {  	_ =	shalt  }
0x56: {  	_ =	shalt  }
0x57: {  	_ =	shalt  }
0x58: {  	_ =	shalt  }
0x59: {  	_ =	shalt  }
0x5a: {  	_ =	shalt  }
0x5b: {  	_ =	shalt  }
0x5c: {  	_ =	shalt  }
0x5d: {  	_ =	shalt  }
0x5e: {  	_ =	shalt  }
0x5f: {  	_ =	shalt  }
0x60: {  	_ =	shalt  }
0x61: {  	_ =	shalt  }
0x62: {  	_ =	shalt  }
0x63: {  	_ =	shalt  }
0x64: {  	_ =	shalt  }
0x65: {  	_ =	shalt  }
0x66: {  	_ =	shalt  }
0x67: {  	_ =	shalt  }
0x68: {  	_ =	shalt  }
0x69: {  	_ =	shalt  }
0x6a: {  	_ =	shalt  }
0x6b: {  	_ =	shalt  }
0x6c: {  	_ =	shalt  }
0x6d: {  	_ =	shalt  }
0x6e: {  	_ =	shalt  }
0x6f: {  	_ =	shalt  }
0x70: {  	_ =	shalt  }
0x71: {  	_ =	shalt  }
0x72: {  	_ =	shalt  }
0x73: {  	_ =	shalt  }
0x74: {  	_ =	shalt  }
0x75: {  	_ =	shalt  }
0x76: {  	_ =	shalt  }
0x77: {  	_ =	shalt  }
0x78: {  	_ =	shalt  }
0x79: {  	_ =	shalt  }
0x7a: {  	_ =	shalt  }
0x7b: {  	_ =	shalt  }
0x7c: {  	_ =	shalt  }
0x7d: {  	_ =	shalt  }
0x7e: {  	_ =	shalt  }
0x7f: {  	_ =	shalt  }
0x80: {  	_ =	shalt  }
0x81: {  	_ =	shalt  }
0x82: {  	_ =	shalt  }
0x83: {  	_ =	shalt  }
0x84: {  	_ =	shalt  }
0x85: {  	_ =	shalt  }
0x86: {  	_ =	shalt  }
0x87: {  	_ =	shalt  }
.Lfunc_end0:
.L_simem_size_0:
called_computation_lowered:
.L_overlay_start_0:
0x88: {  	s0 =	sld [smem:$0x3FD9]  }
0x89: {  	s1 =	sld [smem:$0x3FFE];
	_ =	sdelay $0x3  }
0x8a: {  	s0 =	sadd.s32 s1, s0  }
0x8b: {  	[smem:$0x3FC5] =	sst s0  }
0x8c: {  	_ = 	snop  }
0x8d: {  	s0 =	sld [smem:$0x3FD0];
	(tm) =	ssettm $0x1  }
0x8e: {  	s16 =	sld [smem:$0x3FFB];
	_ =	sdelay $0x3  }
0x8f: {  	_ =	strace s16  }
0x90: {  	s1 =	sld [smem:$0x3FFC];
	_ =	sdelay $0x3  }
0x91: {  	_ =	strace s1  }
0x92: {  	s1 =	sld [smem:$0x3FFD];
	_ =	sdelay $0x3  }
0x93: {  	_ =	strace s1  }
0x94: {  	_ =	strace $0x8FFFFFFF  }
0x95: {  	s17 =	sld [smem:$0x3FDB];
	_ =	sdelay $0x1  }
0x96: {  	s2 =	simm.s32 $_scs_section_size  }
0x97: {  	s3 =	simm.s32 $_size__tile_overlayer_lowered;
	s4 =	simm.s32 $_tile_overlayer_lowered  }
0x98: {  	s20 =	simm.s32 $0x1BFF;
	s19 =	sshll.u32 s4, $0x1;
	s1 =	sadd.s32 s2, s17  }
0x99: {  	s5 =	simm.s32 $0x0;
	s18 =	sshll.u32 s3, $0x1;
	s3 =	sadd.s32 s19, s1  }
0x9a: {  	[timem:s5], [sflag:s20] =	dma.local [hbm:s3], s18  }
0x9b: {  	_ =	swait.ge [sflag:s20], s18  }
0x9c: {  	s2 =	ssub.s32 $0x0, s18;
	[sflag:s20] =	ssyncset.done $0x0  }
0x9d: {  	[sflag:s20] =	ssyncadd.s32 s2;
	_ =	sdelay $0x1  }
0x9e: {  	s21 =	simm.s32 $0x1B8B  }
0x9f: {  	_ =	swait.ge [sflag:s21], $0x1  }
0xa0: {  	[sflag:s21] =	ssyncset.done $0x0  }
0xa1: {  	s23 =	simm.s32 $0x1B8E;
	s22 =	sld [smem:$0x3FFE];
	[sflag:s21] =	ssyncadd.s32 $0xFFFFFFFF  }
0xa2: {  	s24 =	simm.s32 $execute0_lowered;
	[smem:$0x3FD2] =	sst s23  }
0xa3: {  	s3 =	sshll.u32 s24, $0x1;
	_ =	strace $0x80000046;
	[dreg:$0x1] =	wrdreg $0xFFFFFFFF  }
0xa4: {  	s25 =	simm.s32 $_size_execute0_lowered;
	s1 =	sadd.s32 s1, s3;
	[dreg:$0x0] =	wrdreg $0x0  }
0xa5: {  	s3 =	sshll.u32 s25, $0x1;
	[dreg:$0x2] =	wrdreg s1  }
0xa6: {  	[dreg:$0x3] =	wrdreg s3  }
0xa7: {  	[dreg:$0x4] =	wrdreg $0xC0  }
0xa8: {  	_ =	task [dreg:s5], $0x5FFFF  }
0xa9: {  	[dreg:$0x1] =	wrdreg $0xFFFFFFFF  }
0xaa: {  	[dreg:$0x0] =	wrdreg $0x60  }
0xab: {  	[dreg:$0x2] =	wrdreg s22  }
0xac: {  	[dreg:$0x3] =	wrdreg s0  }
0xad: {  	[dreg:$0x4] =	wrdreg $0x2F480  }
0xae: {  	[dreg:$0x5] =	wrdreg $0x9  }
0xaf: {  	_ =	task.clear_ibuf [dreg:s5], $0x6FFFF;
	_ =	strace $0x90000046  }
0xb0: {  	s26 =	simm.s32 $0x9;
	_ =	strace $0x80000048  }
0xb1: {  	_ =	swait.ge [sflag:s26], $0x1  }
0xb2: {  	[sflag:s26] =	ssyncadd.s32 $0xFFFFFFFF  }
0xb3: {  	_ =	strace $0x90000048  }
0xb4: {  	_ =	sfence  }
0xb5: {  	s28 =	sld [smem:$0x0];
	_ =	sdelay $0x1  }
0xb6: {  	s29 =	srdreg.scid  }
0xb7: {  	s30 =	sshll.u32 s29, $0xD;
	s31 =	sshrl.u32 s29, $0x2  }
0xb8: {  	s2 =	sand.u32 $0x4000, s30;
	s1 =	sand.u32 $0x1, s29;
	s0 =	sadd.s32 s31, s28  }
0xb9: {  	s1 =	sor.u32 s2, s1;
	s0 =	sshll.u32 s0, $0x11  }
0xba: {  	s0 =	sor.u32 s0, s1  }
0xbb: {  	s0 =	sadd.s32 $0x8F2B, s0  }
0xbc: {  	[sflag:s0] =	ssyncadd.remote.s32 $0x1  }
0xbd: {  	_ =	sfence.sel $0xFFFF  }
0xbe: {  	[dreg:$0x0] =	wrdreg $0xFFFFFFFF;
	(pc) =	sbr.abs _section_cstart, $3  }
0xbf: {  	[dreg:$0x1] =	wrdreg $0xFFFFFFFF  }
0xc0: {  	_ =	task.clear_ibuf [dreg:s5], $0x2FFFF;
	_ =	strace $0x9FFFFFFF  }
0xc1: {  	(tm) =	ssettm $0x7FFFFFFF  }
tec
execute0_lowered:
.L_overlay_start_1:
0x0: {  	(tag) =	ssettag $0x1  }
0x1: {  	s6 =	rddreg [dreg:$0x0]  }
0x2: {  	s1 =	rddreg [dreg:$0x1];
	s3 =	stileid.u32  }
0x3: {  	s2 =	rddreg [dreg:$0x2];
	s4 =	smul.u32 $0x271, s3  }
0x4: {  	s0 =	rddreg [dreg:$0x3];
	s5 =	simm.s32 $0x0  }
0x5: {  	[smem:$0x7FF] =	sst s5;
	s4 =	sadd.s32 s4, s6  }
0x6: {  	s25 =	simm.s32 $0x1;
	_ =	strace $0x80000047;
	s7 =	sadd.s32 $0x1200, s4  }
0x7: {  	[tilespmem:s5], [sflag:$0x1] =	stream.linear.gather [hbm4b:s7+s5], $0x1388, $0x38;
	[tilespmem:$0x2F68] =	vst v63  }
0x8: {  	_ =	swait.ge [sflag:s25], $0x1388  }
0x9: {  	s8 =	smul.u32 $0x9D, s3;
	[sflag:s25] =	ssyncset.done $0x0  }
0xa: {  	s9 =	sadd.s32 $0x3A00, s4;
	s4 =	simm.s32 $0x1408;
	[sflag:s25] =	ssyncadd.s32 $0xFFFFEC78  }
0xb: {  	[tilespmem:s4], [sflag:$0x1] =	stream.linear.gather [hbm4b:s9+s5], $0x1388, $0x38;
	[tilespmem:$0x2F68] =	vst v63  }
0xc: {  	_ =	swait.ge [sflag:s25], $0x1388  }
0xd: {  	s6 =	sadd.s32 s8, s6;
	[sflag:s25] =	ssyncset.done $0x0  }
0xe: {  	s26 =	simm.s32 $0x2810;
	v0 =	vlaneseq.u32;
	s6 =	sadd.s32 $0x800, s6;
	[sflag:s25] =	ssyncadd.s32 $0xFFFFEC78  }
0xf: {  	v2 =	vmul.u32 $0x4, v0;
	[tilespmem:s26], [sflag:$0x1] =	stream.linear.gather [hbm4b:s6+s5], $0x4E2, $0x38;
	[tilespmem:$0x2F68] =	vst v63  }
0x10: {  	_ =	swait.ge [sflag:s25], $0x4E2  }
0x11: {  	v1 =	vand.u32 $0x1, v0;
	v3 =	vor.u32 $0x3, v2;
	[sflag:s25] =	ssyncset.done $0x0  }
0x12: {  	s28 =	simm.s32 $0x0;
	v1 =	vmul.u32 $0x4, v1;
	v4 =	vor.u32 $0x1, v2;
	v7 =	vor.u32 s5, v3;
	[sflag:s25] =	ssyncadd.s32 $0xFFFFFB1E  }
0x13: {  	v5 =	vor.u32 $0x2, v2;
	v8 =	vor.u32 s5, v4;
	v9 =	vld [tilespmem:s28+$0x0]  }
0x14: {  	v6 =	vor.u32 $0xFFFFFFF8, v1;
	v1 =	vor.u32 s5, v2;
	v10 =	vor.u32 s5, v5;
	v11 =	vld [tilespmem:s28+$0x271]  }
0x15: {  	v1 =	vand.u32 v6, v1;
	v12 =	vld [tilespmem:s28+$0x4E2]  }
0x16: {  	v13 =	vld [tilespmem:s28+$0x753]  }
0x17: {  	v7 =	vld.idx.msk [tilespmem:v7+s4+$0x0], $0xffff  }
0x18: {  	v8 =	vld.idx.msk [tilespmem:v8+s4+$0x0], $0xffff  }
0x19: {  	v10 =	vld.idx.msk [tilespmem:v10+s4+$0x0], $0xffff  }
0x1a: {  	v1 =	vld.idx.msk [tilespmem:v1+s4+$0x0], $0xffff;
	_ =	sdelay $0x2  }
0x1b: {  	v14 =	vadd.f32 v12, v9;
	v15 =	vadd.f32 v13, v11  }
0x1c: {  	v13 =	vmin.f32 v13, v7  }
0x1d: {  	v7 =	vadd.f32 v7, v8;
	v14 =	vmul.f32 v15, v14;
	v15 =	vadd.f32 v10, v1  }
0x1e: {  	v8 =	vmin.f32 v11, v8;
	v10 =	vmin.f32 v12, v10;
	v1 =	vmin.f32 v9, v1  }
0x1f: {  	v8 =	vadd.f32 v13, v8;
	v1 =	vadd.f32 v10, v1;
	v7 =	vmul.f32 v7, v15  }
0x20: {  	s29 =	simm.s32 $0x40  }
0x21: {  	v11 =	vor.u32 s29, v2;
	v1 =	vmul.f32 v8, v1;
	v7 =	vadd.f32 v7, v14  }
0x22: {  	s30 =	simm.s32 $0x10;
	v11 =	vand.u32 v6, v11  }
0x23: {  	v13 =	vld [tilespmem:s30+$0x271];
	v8 =	vor.u32 s29, v3;
	v7 =	vsub.f32 v7, v1  }
0x24: {  	v9 =	vor.u32 s29, v4;
	v10 =	vld [tilespmem:s30+$0x0]  }
0x25: {  	v12 =	vor.u32 s29, v5;
	v15 =	vld [tilespmem:s30+$0x753];
	v7 =	vadd.f32 $1.000000000e+00, v7  }
0x26: {  	v14 =	vld [tilespmem:s30+$0x4E2]  }
0x27: {  	v11 =	vld.idx.msk [tilespmem:v11+s4+$0x0], $0xffff;
	(erf) = vrcp.f32 v7  }
0x28: {  	v8 =	vld.idx.msk [tilespmem:v8+s4+$0x0], $0xffff  }
0x29: {  	v7 =	vld.idx.msk [tilespmem:v9+s4+$0x0], $0xffff  }
0x2a: {  	v9 =	vld.idx.msk [tilespmem:v12+s4+$0x0], $0xffff;
	_ =	sdelay $0x2  }
0x2b: {  	v1 =	vadd.f32 $1.000000000e+00, v1;
	v16 =	vadd.f32 v15, v13  }
0x2c: {  	v12 =	vadd.f32 v14, v10;
	v10 =	vmin.f32 v10, v11;
	v15 =	vmin.f32 v15, v8  }
0x2d: {  	v8 =	vadd.f32 v8, v7;
	v7 =	vmin.f32 v13, v7;
	v13 =	vadd.f32 v9, v11  }
0x2e: {  	v12 =	vmul.f32 v16, v12;
	v9 =	vmin.f32 v14, v9;
	v7 =	vadd.f32 v15, v7;
	v11 =	vpop (erf)  }
0x2f: {  	v9 =	vadd.f32 v9, v10;
	v8 =	vmul.f32 v8, v13;
	v10 =	vmul.f32 v11, v1;
	_ =	sdelay $0x1  }
0x30: {  	v7 =	vmul.f32 v7, v9;
	v1 =	vadd.f32 v8, v12;
	v8 =	vand.u32 $0x7FFFFF, v10  }
0x31: {  	s31 =	simm.s32 $0x80;
	v8 =	vor.u32 $0x3F800000, v8  }
0x32: {  	s8 =	simm.s32 $0x20;
	v14 =	vor.u32 s31, v5;
	v1 =	vsub.f32 v1, v7;
	v9 =	vmul.f32 $5.000000000e-01, v8  }
0x33: {  	v17 =	vld [tilespmem:s8+$0x4E2];
	v11 =	vor.u32 s31, v3;
	v12 =	vor.u32 s31, v4;
	vm0 =	vgt.f32 v8, $1.414213540e+00  }
0x34: {  	v18 =	vld [tilespmem:s8+$0x753];
	v1 =	vadd.f32 $1.000000000e+00, v1;
	v8 =	vsel vm0, v9, v8;
	v9 =	vor.u32 s31, v2  }
0x35: {  	v15 =	vld [tilespmem:s8+$0x271];
	v9 =	vand.u32 v6, v9  }
0x36: {  	v13 =	vld [tilespmem:s8+$0x0];
	(erf) = vrcp.f32 v1;
	v16 =	vadd.f32 $1.000000000e+00, v8  }
0x37: {  	v14 =	vld.idx.msk [tilespmem:v14+s4+$0x0], $0xffff  }
0x38: {  	v11 =	vld.idx.msk [tilespmem:v11+s4+$0x0], $0xffff;
	(erf) = vrcp.f32 v16  }
0x39: {  	v12 =	vld.idx.msk [tilespmem:v12+s4+$0x0], $0xffff  }
0x3a: {  	v9 =	vld.idx.msk [tilespmem:v9+s4+$0x0], $0xffff  }
0x3b: {  	s10 =	simm.s32 $0xC0;
	v19 =	vadd.f32 v18, v15;
	v10 =	vshra.s32 v10, $0x17  }
0x3c: {  	v20 =	vor.u32 s10, v4;
	v21 =	vor.u32 s10, v5;
	v10 =	vadd.s32 $0xFFFFFF81, v10  }
0x3d: {  	v7 =	vadd.f32 $1.000000000e+00, v7;
	v10 =	vcvt.s32.f32 v10;
	v16 =	vadd.f32 v17, v13  }
0x3e: {  	v18 =	vmin.f32 v18, v11;
	v15 =	vmin.f32 v15, v12;
	v11 =	vadd.f32 v11, v12  }
0x3f: {  	v12 =	vmin.f32 v17, v14;
	v16 =	vmul.f32 v19, v16;
	v19 =	vpop (erf);
	v14 =	vadd.f32 v14, v9  }
0x40: {  	v8 =	vadd.f32 $-1.000000000e+00, v8;
	v7 =	vmul.f32 v19, v7;
	v9 =	vmin.f32 v13, v9  }
0x41: {  	v13 =	vadd.f32 v18, v15;
	v17 =	vpop (erf);
	v9 =	vadd.f32 v12, v9;
	v11 =	vmul.f32 v11, v14  }
0x42: {  	v1 =	vmul.u32 $0xFFFFFFFF, v0;
	v0 =	vimm.f32 $0.0e+00;
	v8 =	vmul.f32 v17, v8  }
0x43: {  	s7 =	simm.s32 $0x30;
	v14 =	vand.u32 $0x7FFFFF, v7;
	v9 =	vmul.f32 v13, v9;
	v11 =	vadd.f32 v11, v16  }
0x44: {  	v22 =	vld [tilespmem:s7+$0x271];
	v12 =	vor.u32 s10, v3;
	v14 =	vor.u32 $0x3F800000, v14;
	v15 =	vmul.f32 v8, v8  }
0x45: {  	v23 =	vld [tilespmem:s7+$0x4E2];
	vm0 =	vmmov vm0;
	v18 =	vmul.f32 $5.000000000e-01, v14;
	v11 =	vsub.f32 v11, v9  }
0x46: {  	v17 =	vor.u32 s10, v2;
	v13 =	vld [tilespmem:s28+$0x2810];
	vm1 =	vgt.f32 v14, $1.414213540e+00;
	v19 =	vmul.f32 $2.857142980e-01, v15  }
0x47: {  	v17 =	vand.u32 v6, v17;
	v16 =	vld [tilespmem:s7+$0x0];
	v14 =	vsel vm1, v18, v14;
	v11 =	vadd.f32 $1.000000000e+00, v11  }
0x48: {  	vm2 =	vmmov vm0;
	v24 =	vadd.f32 $1.000000000e+00, v14;
	v18 =	vadd.f32 $4.000000060e-01, v19;
	v19 =	vld [tilespmem:s7+$0x753]  }
0x49: {  	v1 =	vadd.s32 $0x271, v1;
	vm0 =	vmmov vm1;
	v25 =	vld.idx.msk [tilespmem:v12+s4+$0x0], $0xffff;
	(erf) = vrcp.f32 v11  }
0x4a: {  	v21 =	vld.idx.msk [tilespmem:v21+s4+$0x0], $0xffff;
	v9 =	vadd.f32 $1.000000000e+00, v9;
	v12 =	vmul.f32 v18, v15;
	(erf) = vrcp.f32 v24  }
0x4b: {  	s11 =	simm.s32 $0x100;
	v14 =	vadd.f32 $-1.000000000e+00, v14;
	vm3 =	vgt.f32 v13, $0.0e+00;
	v18 =	vld.idx.msk [tilespmem:v20+s4+$0x0], $0xffff;
	v20 =	vmov s5  }
0x4c: {  	v17 =	vld.idx.msk [tilespmem:v17+s4+$0x0], $0xffff;
	v11 =	vor.u32 s11, v4;
	vm1 =	vlt.u32 v20, v1;
	v20 =	vadd.f32 $6.666666860e-01, v12  }
0x4d: {  	v24 =	vadd.f32 v23, v16;
	v12 =	vor.u32 s11, v3;
	v26 =	vadd.f32 v19, v22  }
0x4e: {  	v13 =	vmin.f32 v19, v25;
	v19 =	vsel vm2, $0x3F800000, v0;
	v15 =	vmul.f32 v20, v15  }
0x4f: {  	vm2 =	vmand vm1, vm3;
	v10 =	vadd.f32 v10, v19;
	v19 =	vmin.f32 v23, v21  }
0x50: {  	v20 =	vmin.f32 v22, v18;
	v18 =	vadd.f32 v25, v18;
	v15 =	vadd.f32 $2.000000000e+00, v15  }
0x51: {  	v13 =	vadd.f32 v13, v20;
	v20 =	vadd.f32 v21, v17;
	v10 =	vmul.f32 $6.931471820e-01, v10  }
0x52: {  	v21 =	vor.u32 s11, v5;
	v8 =	vmul.f32 v15, v8;
	v15 =	vmin.f32 v16, v17;
	v17 =	vpop (erf)  }
0x53: {  	v16 =	vmul.f32 v26, v24;
	v18 =	vmul.f32 v18, v20;
	v15 =	vadd.f32 v19, v15;
	v19 =	vpop (erf)  }
0x54: {  	v8 =	vadd.f32 v8, v10;
	v10 =	vmul.f32 v17, v9;
	v9 =	vmul.f32 v19, v14  }
0x55: {  	s6 =	simm.s32 $0x40;
	v20 =	vor.u32 s11, v2;
	v14 =	vmul.f32 v13, v15;
	v15 =	vadd.f32 v18, v16  }
0x56: {  	v22 =	vld [tilespmem:s6+$0x753];
	v24 =	vsel vm2, $0x3F800000, v0;
	v18 =	vand.u32 $0x7FFFFF, v10;
	v16 =	vmul.f32 v9, v9  }
0x57: {  	v23 =	vand.u32 v6, v20;
	v20 =	vld [tilespmem:s6+$0x4E2];
	v18 =	vor.u32 $0x3F800000, v18;
	v15 =	vsub.f32 v15, v14  }
0x58: {  	v17 =	vld [tilespmem:s6+$0x0];
	v8 =	vnsel vm2, $0x0, v8;
	v25 =	vmul.f32 $5.000000000e-01, v18;
	v27 =	vmul.f32 $2.857142980e-01, v16  }
0x59: {  	s12 =	simm.s32 $0x10;
	s13 =	simm.s32 $0x50;
	v13 =	vld [tilespmem:s30+$0x2810];
	v8 =	vadd.f32 v8, v0;
	vm1 =	vgt.f32 v18, $1.414213540e+00;
	v26 =	vadd.f32 $1.000000000e+00, v15  }
0x5a: {  	s9 =	simm.s32 $0x30;
	s10 =	simm.s32 $0x20;
	s5 =	simm.s32 $0x40;
	v19 =	vld [tilespmem:s6+$0x271];
	v15 =	vimm.f32 $0.0e+00;
	v18 =	vsel vm1, v25, v18;
	v25 =	vadd.f32 $4.000000060e-01, v27  }
.LBB2_1:
0x5b: {  	v27 =	vld.idx.msk [tilespmem:v12+s4+$0x0], $0xffff;
	v12 =	vadd.f32 $1.000000000e+00, v18  }
0x5c: {  	p0 =	sne.s32 s13, $0x270;
	v15 =	vadd.f32 v24, v15;
	vm2 =	vmmov vm0;
	vm0 =	vmmov vm1  }
0x5d: {  	s11 =	sadd.s32 $0x40, s11;
	v24 =	vld.idx.msk [tilespmem:v11+s4+$0x0], $0xffff;
	(erf) = vrcp.f32 v26;
	v26 =	vmov s12;
	v25 =	vmul.f32 v25, v16;
	s12 =	smov.u32 s10;
	s10 =	smov.u32 s9  }
0x5e: {  	v11 =	vor.u32 s11, v4;
	s9 =	smov.u32 s5;
	s5 =	smov.u32 s13;
	v21 =	vld.idx.msk [tilespmem:v21+s4+$0x0], $0xffff;
	(erf) = vrcp.f32 v12;
	vm1 =	vlt.u32 v26, v1  }
0x5f: {  	v12 =	vor.u32 s11, v3;
	v26 =	vshra.s32 v7, $0x17;
	v7 =	vmovc v10;
	v23 =	vld.idx.msk [tilespmem:v23+s4+$0x0], $0xffff;
	v25 =	vadd.f32 $6.666666860e-01, v25  }
0x60: {  	v10 =	vadd.f32 v20, v17;
	v26 =	vadd.s32 $0xFFFFFF81, v26;
	v28 =	vadd.f32 v22, v19  }
0x61: {  	vm3 =	vgt.f32 v13, $0.0e+00;
	v26 =	vcvt.s32.f32 v26;
	v16 =	vmul.f32 v25, v16  }
0x62: {  	v13 =	vmul.f32 v28, v10;
	v10 =	vmin.f32 v22, v27;
	v22 =	vsel vm2, $0x3F800000, v0  }
0x63: {  	v19 =	vmin.f32 v19, v24;
	v22 =	vadd.f32 v26, v22;
	v16 =	vadd.f32 $2.000000000e+00, v16  }
0x64: {  	v24 =	vadd.f32 v27, v24;
	v20 =	vmin.f32 v20, v21;
	v19 =	vadd.f32 v10, v19  }
0x65: {  	v10 =	vadd.f32 v21, v23;
	v9 =	vmul.f32 v16, v9;
	v16 =	vmul.f32 $6.931471820e-01, v22  }
0x66: {  	v14 =	vadd.f32 $1.000000000e+00, v14;
	v18 =	vadd.f32 $-1.000000000e+00, v18;
	v17 =	vmin.f32 v17, v23;
	v21 =	vpop (erf)  }
0x67: {  	v17 =	vadd.f32 v20, v17;
	v22 =	vmul.f32 v24, v10;
	v20 =	vpop (erf);
	v16 =	vadd.f32 v9, v16  }
0x68: {  	vm2 =	vmand vm1, vm3;
	v10 =	vmul.f32 v21, v14;
	v9 =	vmul.f32 v20, v18  }
0x69: {  	v14 =	vmul.f32 v19, v17;
	v18 =	vadd.f32 v22, v13;
	v17 =	vnsel vm2, $0x0, v16  }
.Ltmp0:
0x6a: {  	s14 =	sshra.s32 s11, $0x2;
	v19 =	vand.u32 $0x7FFFFF, v10;
	v13 =	vld [tilespmem:s8+$0x2810];
	v16 =	vmul.f32 v9, v9;
	v8 =	vadd.f32 v17, v8;
	s8 =	smov.u32 s7;
	(pc) =	sbr.rel @p0 .LBB2_1-.Ltmp0, $4  }
0x6b: {  	v21 =	vor.u32 s11, v5;
	v22 =	vor.u32 s11, v2;
	v25 =	vor.u32 $0x3F800000, v19;
	s7 =	smov.u32 s6;
	s6 =	smov.u32 s14;
	v17 =	vld [tilespmem:s14+$0x0]  }
0x6c: {  	v18 =	vsub.f32 v18, v14;
	v27 =	vmul.f32 $5.000000000e-01, v25;
	v19 =	vld [tilespmem:s6+$0x271];
	v28 =	vmul.f32 $2.857142980e-01, v16  }
0x6d: {  	v24 =	vsel vm2, $0x3F800000, v0;
	v23 =	vand.u32 v6, v22;
	vm1 =	vgt.f32 v25, $1.414213540e+00;
	v20 =	vld [tilespmem:s6+$0x4E2]  }
0x6e: {  	s13 =	sadd.s32 $0x10, s13;
	v26 =	vadd.f32 $1.000000000e+00, v18;
	v18 =	vsel vm1, v27, v25;
	v22 =	vld [tilespmem:s6+$0x753];
	v25 =	vadd.f32 $4.000000060e-01, v28  }
0x6f: {  	_ =	sdelay $0x3  }
0x70: {  	v2 =	vld.idx.msk [tilespmem:v12+s4+$0x0], $0xffff  }
0x71: {  	v3 =	vld.idx.msk [tilespmem:v11+s4+$0x0], $0xffff  }
0x72: {  	v4 =	vld.idx.msk [tilespmem:v21+s4+$0x0], $0xffff  }
0x73: {  	v5 =	vld.idx.msk [tilespmem:v23+s4+$0x0], $0xffff  }
0x74: {  	v6 =	vadd.f32 $1.000000000e+00, v18  }
0x75: {  	v11 =	vadd.f32 v20, v17;
	v12 =	vadd.f32 v22, v19  }
0x76: {  	(erf) = vrcp.f32 v26  }
0x77: {  	(erf) = vrcp.f32 v6;
	v6 =	vmul.f32 v12, v11  }
0x78: {  	v11 =	vmin.f32 v22, v2;
	v2 =	vadd.f32 v2, v3;
	v12 =	vadd.f32 v4, v5  }
0x79: {  	v3 =	vmin.f32 v19, v3;
	v4 =	vmin.f32 v20, v4;
	v5 =	vmin.f32 v17, v5  }
0x7a: {  	v3 =	vadd.f32 v11, v3;
	v4 =	vadd.f32 v4, v5;
	v2 =	vmul.f32 v2, v12;
	_ =	sdelay $0x1  }
0x7b: {  	v3 =	vmul.f32 v3, v4;
	v2 =	vadd.f32 v2, v6  }
0x7c: {  	vm0 =	vmmov vm0  }
0x7d: {  	v7 =	vshra.s32 v7, $0x17;
	v4 =	vmul.f32 v25, v16;
	v2 =	vsub.f32 v2, v3  }
0x7e: {  	vm3 =	vgt.f32 v13, $0.0e+00;
	v10 =	vshra.s32 v10, $0x17;
	v5 =	vadd.f32 $1.000000000e+00, v14  }
0x7f: {  	v10 =	vadd.s32 $0xFFFFFF81, v10;
	v11 =	vpop (erf);
	v4 =	vadd.f32 $6.666666860e-01, v4;
	v2 =	vadd.f32 $1.000000000e+00, v2  }
0x80: {  	v10 =	vcvt.s32.f32 v10;
	v12 =	vadd.f32 $-1.000000000e+00, v18;
	v11 =	vmul.f32 v11, v5  }
0x81: {  	v5 =	vadd.s32 $0xFFFFFF81, v7;
	v7 =	vpop (erf);
	v4 =	vmul.f32 v4, v16;
	(erf) = vrcp.f32 v2  }
0x82: {  	v7 =	vmul.f32 v7, v12;
	v2 =	vcvt.s32.f32 v5;
	v5 =	vand.u32 $0x7FFFFF, v11  }
0x83: {  	v12 =	vsel vm0, $0x3F800000, v0;
	v4 =	vadd.f32 $2.000000000e+00, v4;
	v5 =	vor.u32 $0x3F800000, v5  }
0x84: {  	v2 =	vadd.f32 v2, v12;
	v12 =	vmul.f32 v7, v7;
	v14 =	vmul.f32 $5.000000000e-01, v5  }
0x85: {  	v6 =	vadd.f32 v24, v15;
	v4 =	vmul.f32 v4, v9;
	vm2 =	vgt.f32 v5, $1.414213540e+00  }
0x86: {  	v2 =	vmul.f32 $6.931471820e-01, v2;
	v9 =	vmul.f32 $2.857142980e-01, v12;
	v14 =	vsel vm2, v14, v5  }
0x87: {  	v15 =	vmov s12;
	vm0 =	vmmov vm1;
	v5 =	vadd.f32 $1.000000000e+00, v14  }
0x88: {  	vm1 =	vlt.u32 v15, v1;
	v4 =	vadd.f32 v4, v2;
	v2 =	vadd.f32 $4.000000060e-01, v9  }
0x89: {  	v3 =	vadd.f32 $1.000000000e+00, v3;
	vm1 =	vmand vm1, vm3;
	v9 =	vlaneseq.u32  }
0x8a: {  	(erf) = vrcp.f32 v5;
	v5 =	vmul.f32 v2, v12;
	v2 =	vmul.u32 $0x4, v9;
	v13 =	vpop (erf)  }
0x8b: {  	s25 =	simm.s32 $0x9C4;
	s26 =	simm.s32 $0x0;
	v11 =	vshra.s32 v11, $0x17;
	v15 =	vnsel vm1, $0x0, v4;
	v13 =	vmul.f32 v13, v3  }
0x8c: {  	v26 =	vld [tilespmem:s26+$0xEA6];
	v17 =	vadd.f32 $6.666666860e-01, v5;
	v3 =	vor.u32 $0x2, v2;
	v18 =	vadd.s32 s25, v2  }
0x8d: {  	v20 =	vld [tilespmem:s26+$0x9C4];
	v4 =	vor.u32 $0x3, v2;
	v19 =	vadd.s32 s25, v3;
	v5 =	vand.u32 $0x7FFFFF, v13  }
0x8e: {  	v16 =	vld [tilespmem:s8+$0x2810];
	v23 =	vadd.s32 s25, v4;
	v21 =	vor.u32 $0x3F800000, v5;
	v5 =	vor.u32 $0x1, v2  }
0x8f: {  	v22 =	vld [tilespmem:s26+$0xC35];
	vm3 =	vmmov vm0;
	v11 =	vadd.s32 $0xFFFFFF81, v11;
	v25 =	vadd.s32 s25, v5  }
0x90: {  	s4 =	simm.s32 $0x1408;
	v14 =	vadd.f32 $-1.000000000e+00, v14;
	v12 =	vmul.f32 v17, v12;
	v17 =	vld [tilespmem:s26+$0x1117];
	v24 =	vmul.f32 $5.000000000e-01, v21  }
0x91: {  	v8 =	vadd.f32 v15, v8;
	v13 =	vshra.s32 v13, $0x17;
	vm0 =	vgt.f32 v21, $1.414213540e+00;
	v18 =	vld.idx.msk [tilespmem:v18+s4+$0x0], $0xffff  }
0x92: {  	v12 =	vadd.f32 $2.000000000e+00, v12;
	v21 =	vsel vm0, v24, v21;
	v24 =	vsel vm3, $0x3F800000, v0;
	v19 =	vld.idx.msk [tilespmem:v19+s4+$0x0], $0xffff  }
0x93: {  	v15 =	vld.idx.msk [tilespmem:v23+s4+$0x0], $0xffff;
	v23 =	vsel vm1, $0x3F800000, v0;
	vm3 =	vgt.f32 v16, $0.0e+00;
	v16 =	vadd.f32 v26, v20  }
0x94: {  	v27 =	vpop (erf);
	v7 =	vmul.f32 v12, v7;
	v28 =	vadd.f32 $1.000000000e+00, v21;
	v10 =	vadd.f32 v10, v24;
	v12 =	vld.idx.msk [tilespmem:v25+s4+$0x0], $0xffff  }
0x95: {  	v14 =	vmul.f32 v27, v14;
	v24 =	vmov s10;
	v6 =	vadd.f32 v23, v6  }
0x96: {  	v23 =	vadd.f32 v17, v22;
	(erf) = vrcp.f32 v28;
	v10 =	vmul.f32 $6.931471820e-01, v10  }
0x97: {  	vm1 =	vmmov vm2;
	vm2 =	vlt.u32 v24, v1;
	v25 =	vmul.f32 v14, v14  }
0x98: {  	v16 =	vmul.f32 v23, v16;
	v20 =	vmin.f32 v20, v18;
	v7 =	vadd.f32 v7, v10  }
0x99: {  	v24 =	vmin.f32 v26, v19;
	v18 =	vadd.f32 v19, v18;
	v19 =	vadd.f32 v15, v12  }
0x9a: {  	v10 =	vmul.f32 $2.857142980e-01, v25;
	v15 =	vmin.f32 v17, v15;
	v12 =	vmin.f32 v22, v12  }
0x9b: {  	v17 =	vadd.f32 v24, v20;
	v12 =	vadd.f32 v15, v12;
	v18 =	vmul.f32 v19, v18  }
0x9c: {  	s11 =	simm.s32 $0xA04;
	vm1 =	vmmov vm1;
	vm2 =	vmand vm2, vm3;
	v10 =	vadd.f32 $4.000000060e-01, v10  }
0x9d: {  	s28 =	simm.s32 $0x10;
	v23 =	vadd.s32 s11, v4;
	v12 =	vmul.f32 v12, v17;
	v16 =	vadd.f32 v18, v16  }
0x9e: {  	v27 =	vld [tilespmem:s28+$0x1117];
	v24 =	vadd.s32 s11, v5;
	v15 =	vadd.f32 $-1.000000000e+00, v21;
	v10 =	vmul.f32 v10, v25  }
0x9f: {  	v26 =	vld [tilespmem:s28+$0xEA6];
	v7 =	vnsel vm2, $0x0, v7;
	v19 =	vpop (erf);
	v18 =	vadd.s32 s11, v2;
	v16 =	vsub.f32 v16, v12  }
0xa0: {  	v20 =	vld [tilespmem:s28+$0x9C4];
	v10 =	vadd.f32 $6.666666860e-01, v10;
	v15 =	vmul.f32 v19, v15;
	v19 =	vadd.s32 s11, v3  }
0xa1: {  	v22 =	vld [tilespmem:s28+$0xC35];
	v7 =	vadd.f32 v7, v8;
	v8 =	vcvt.s32.f32 v11;
	v16 =	vadd.f32 $1.000000000e+00, v16  }
0xa2: {  	v13 =	vadd.s32 $0xFFFFFF81, v13;
	v17 =	vld [tilespmem:s7+$0x2810];
	v10 =	vmul.f32 v10, v25;
	v25 =	vsel vm1, $0x3F800000, v0  }
0xa3: {  	vm0 =	vmmov vm0;
	v24 =	vld.idx.msk [tilespmem:v24+s4+$0x0], $0xffff;
	v8 =	vadd.f32 v8, v25;
	(erf) = vrcp.f32 v16  }
0xa4: {  	vm0 =	vmmov vm0;
	v21 =	vmul.f32 v15, v15;
	v10 =	vadd.f32 $2.000000000e+00, v10;
	v18 =	vld.idx.msk [tilespmem:v18+s4+$0x0], $0xffff  }
0xa5: {  	v25 =	vmov s9;
	v12 =	vadd.f32 $1.000000000e+00, v12;
	v8 =	vmul.f32 $6.931471820e-01, v8;
	v19 =	vld.idx.msk [tilespmem:v19+s4+$0x0], $0xffff  }
0xa6: {  	v23 =	vld.idx.msk [tilespmem:v23+s4+$0x0], $0xffff;
	v11 =	vmul.f32 $2.857142980e-01, v21;
	v10 =	vmul.f32 v10, v14;
	v14 =	vadd.f32 v26, v20  }
0xa7: {  	v16 =	vsel vm2, $0x3F800000, v0;
	vm2 =	vgt.f32 v17, $0.0e+00;
	v17 =	vadd.f32 v27, v22  }
0xa8: {  	vm1 =	vlt.u32 v25, v1;
	v22 =	vmin.f32 v22, v24;
	v11 =	vadd.f32 $4.000000060e-01, v11  }
0xa9: {  	v8 =	vadd.f32 v10, v8;
	vm1 =	vmand vm1, vm2;
	v14 =	vmul.f32 v17, v14  }
0xaa: {  	v11 =	vmul.f32 v11, v21;
	v20 =	vmin.f32 v20, v18;
	v25 =	vmin.f32 v26, v19  }
0xab: {  	v18 =	vadd.f32 v19, v18;
	v19 =	vmin.f32 v27, v23;
	v23 =	vadd.f32 v23, v24  }
0xac: {  	v8 =	vnsel vm1, $0x0, v8;
	v11 =	vadd.f32 $6.666666860e-01, v11;
	v20 =	vadd.f32 v25, v20;
	v17 =	vpop (erf)  }
0xad: {  	s29 =	simm.s32 $0xA44;
	v19 =	vadd.f32 v19, v22;
	v18 =	vmul.f32 v23, v18;
	v17 =	vmul.f32 v17, v12  }
0xae: {  	v26 =	vadd.s32 s29, v5;
	v25 =	vadd.s32 s29, v4;
	v11 =	vmul.f32 v11, v21  }
0xaf: {  	v19 =	vmul.f32 v19, v20;
	v14 =	vadd.f32 v18, v14;
	v18 =	vand.u32 $0x7FFFFF, v17  }
0xb0: {  	v21 =	vadd.s32 s29, v3;
	v20 =	vld [tilespmem:s6+$0x2810];
	s6 =	simm.s32 $0x20;
	v12 =	vcvt.s32.f32 v13;
	v18 =	vor.u32 $0x3F800000, v18  }
0xb1: {  	v22 =	vld [tilespmem:s6+$0x9C4];
	v13 =	vsel vm0, $0x3F800000, v0;
	v14 =	vsub.f32 v14, v19;
	v23 =	vmul.f32 $5.000000000e-01, v18  }
0xb2: {  	v11 =	vadd.f32 $2.000000000e+00, v11;
	v24 =	vld [tilespmem:s6+$0xC35];
	v12 =	vadd.f32 v12, v13;
	vm0 =	vgt.f32 v18, $1.414213540e+00  }
0xb3: {  	v27 =	vld [tilespmem:s6+$0xEA6];
	v13 =	vadd.s32 s29, v2;
	v14 =	vadd.f32 $1.000000000e+00, v14;
	v18 =	vsel vm0, v23, v18  }
0xb4: {  	v7 =	vadd.f32 v8, v7;
	v8 =	vld.idx.msk [tilespmem:v26+s4+$0x0], $0xffff;
	v10 =	vmul.f32 v11, v15;
	v15 =	vadd.f32 $1.000000000e+00, v18  }
0xb5: {  	v11 =	vld [tilespmem:s6+$0x1117];
	v12 =	vmul.f32 $6.931471820e-01, v12;
	(erf) = vrcp.f32 v14  }
0xb6: {  	v21 =	vld.idx.msk [tilespmem:v21+s4+$0x0], $0xffff;
	v14 =	vmov s5;
	(erf) = vrcp.f32 v15  }
0xb7: {  	vm2 =	vlt.u32 v14, v1;
	v1 =	vadd.f32 v10, v12;
	v10 =	vld.idx.msk [tilespmem:v25+s4+$0x0], $0xffff  }
0xb8: {  	v6 =	vadd.f32 v16, v6;
	vm3 =	vgt.f32 v20, $0.0e+00;
	v13 =	vld.idx.msk [tilespmem:v13+s4+$0x0], $0xffff  }
0xb9: {  	v17 =	vshra.s32 v17, $0x17;
	v12 =	vsel vm1, $0x3F800000, v0;
	vm2 =	vmand vm2, vm3  }
0xba: {  	v17 =	vadd.s32 $0xFFFFFF81, v17;
	v6 =	vadd.f32 v12, v6;
	v1 =	vnsel vm2, $0x0, v1  }
0xbb: {  	v14 =	vmin.f32 v27, v21;
	v18 =	vadd.f32 $-1.000000000e+00, v18;
	v15 =	vadd.f32 v1, v7  }
0xbc: {  	v1 =	vadd.f32 v27, v22;
	v7 =	vadd.f32 v11, v24;
	v11 =	vmin.f32 v11, v10  }
0xbd: {  	v10 =	vadd.f32 v10, v8;
	v12 =	vmin.f32 v22, v13;
	v13 =	vadd.f32 v21, v13  }
0xbe: {  	v8 =	vmin.f32 v24, v8;
	v12 =	vadd.f32 v14, v12;
	v14 =	vadd.f32 $1.000000000e+00, v19;
	v16 =	vpop (erf)  }
0xbf: {  	v1 =	vmul.f32 v7, v1;
	v8 =	vadd.f32 v11, v8;
	v10 =	vmul.f32 v10, v13;
	v11 =	vpop (erf)  }
0xc0: {  	s30 =	simm.s32 $0xA84;
	v0 =	vsel vm2, $0x3F800000, v0;
	v7 =	vmul.f32 v16, v14;
	v11 =	vmul.f32 v11, v18  }
0xc1: {  	v6 =	vadd.f32 v0, v6;
	v8 =	vmul.f32 v8, v12;
	v14 =	vadd.s32 s30, v3  }
0xc2: {  	s5 =	simm.s32 $0x30;
	v1 =	vadd.f32 v10, v1;
	v12 =	vand.u32 $0x7FFFFF, v7;
	v13 =	vmul.f32 v11, v11  }
0xc3: {  	v23 =	vld [tilespmem:s5+$0xEA6];
	v0 =	vmul.u32 $0xFFFFFFFF, v9;
	v9 =	vadd.s32 s30, v2;
	v12 =	vor.u32 $0x3F800000, v12  }
0xc4: {  	v24 =	vld [tilespmem:s5+$0x1117];
	v1 =	vsub.f32 v1, v8;
	v20 =	vmul.f32 $5.000000000e-01, v12;
	v21 =	vmul.f32 $2.857142980e-01, v13  }
0xc5: {  	v22 =	vadd.s32 s30, v5;
	v19 =	vld [tilespmem:s5+$0xC35];
	v18 =	vadd.s32 s30, v4;
	vm1 =	vgt.f32 v12, $1.414213540e+00  }
0xc6: {  	v16 =	vld [tilespmem:s5+$0x9C4];
	v25 =	vadd.f32 $1.000000000e+00, v1;
	v20 =	vsel vm1, v20, v12;
	v12 =	vadd.f32 $4.000000060e-01, v21  }
0xc7: {  	v17 =	vcvt.s32.f32 v17;
	v14 =	vld.idx.msk [tilespmem:v14+s4+$0x0], $0xffff;
	v21 =	vadd.f32 $1.000000000e+00, v20  }
0xc8: {  	s31 =	simm.s32 $0xAC4;
	vm0 =	vmmov vm0;
	v10 =	vld [tilespmem:s26+$0x2A81];
	(erf) = vrcp.f32 v25;
	v26 =	vmul.f32 v12, v13  }
0xc9: {  	s8 =	simm.s32 $0x0;
	v27 =	vadd.s32 s31, v2;
	v0 =	vadd.s32 $0x271, v0;
	v9 =	vld.idx.msk [tilespmem:v9+s4+$0x0], $0xffff;
	(erf) = vrcp.f32 v21  }
0xca: {  	v8 =	vadd.f32 $1.000000000e+00, v8;
	v25 =	vmov s8;
	v21 =	vld.idx.msk [tilespmem:v22+s4+$0x0], $0xffff;
	v22 =	vadd.f32 $6.666666860e-01, v26  }
0xcb: {  	v1 =	vimm.f32 $0.0e+00;
	vm2 =	vlt.u32 v25, v0;
	v25 =	vadd.f32 v23, v16;
	v18 =	vld.idx.msk [tilespmem:v18+s4+$0x0], $0xffff  }
0xcc: {  	v13 =	vmul.f32 v22, v13;
	v22 =	vmin.f32 v23, v14;
	v23 =	vsel vm0, $0x3F800000, v1  }
0xcd: {  	vm3 =	vgt.f32 v10, $0.0e+00;
	v10 =	vadd.f32 v24, v19;
	v17 =	vadd.f32 v17, v23  }
0xce: {  	vm1 =	vmmov vm1;
	v16 =	vmin.f32 v16, v9;
	v9 =	vadd.f32 v14, v9  }
0xcf: {  	vm2 =	vmand vm2, vm3;
	v10 =	vmul.f32 v10, v25;
	v13 =	vadd.f32 $2.000000000e+00, v13  }
0xd0: {  	v24 =	vmin.f32 v24, v18;
	v14 =	vadd.f32 v18, v21;
	v18 =	vmin.f32 v19, v21  }
0xd1: {  	v19 =	vadd.f32 $-1.000000000e+00, v20;
	v11 =	vmul.f32 v13, v11;
	v13 =	vmul.f32 $6.931471820e-01, v17;
	v17 =	vpop (erf)  }
0xd2: {  	v16 =	vadd.f32 v22, v16;
	v18 =	vadd.f32 v24, v18;
	v14 =	vmul.f32 v14, v9;
	v9 =	vpop (erf)  }
0xd3: {  	v20 =	vadd.f32 v11, v13;
	v11 =	vmul.f32 v17, v8;
	v9 =	vmul.f32 v9, v19  }
0xd4: {  	v12 =	vadd.s32 s31, v3;
	v23 =	vadd.s32 s31, v5;
	v21 =	vld.idx.msk [tilespmem:v27+s4+$0x0], $0xffff;
	v13 =	vmul.f32 v18, v16  }
0xd5: {  	s7 =	simm.s32 $0x40;
	v16 =	vadd.f32 v14, v10;
	v10 =	vld [tilespmem:s28+$0x2A81];
	v18 =	vand.u32 $0x7FFFFF, v11;
	v14 =	vmul.f32 v9, v9  }
0xd6: {  	v24 =	vadd.s32 s31, v4;
	v17 =	vld [tilespmem:s7+$0x9C4];
	v8 =	vnsel vm2, $0x0, v20;
	v22 =	vor.u32 $0x3F800000, v18  }
0xd7: {  	v19 =	vld [tilespmem:s7+$0xEA6];
	v16 =	vsub.f32 v16, v13;
	v26 =	vmul.f32 $5.000000000e-01, v22;
	v63 =	vmul.f32 $2.857142980e-01, v14  }
0xd8: {  	v20 =	vld [tilespmem:s7+$0x1117];
	v8 =	vadd.f32 v8, v15;
	v18 =	vsel vm2, $0x3F800000, v1;
	vm0 =	vgt.f32 v22, $1.414213540e+00  }
0xd9: {  	s9 =	simm.s32 $0x140;
	v15 =	vld [tilespmem:s7+$0xC35];
	v25 =	vadd.f32 $1.000000000e+00, v16;
	v16 =	vsel vm0, v26, v22;
	v22 =	vadd.f32 $4.000000060e-01, v63  }
.LBB2_3:
0xda: {  	p0 =	sne.s32 s9, $0x9C0;
	v26 =	vld.idx.msk [tilespmem:v12+s4+$0x0], $0xffff;
	v27 =	vadd.f32 $1.000000000e+00, v16;
	v6 =	vadd.f32 v18, v6;
	s8 =	sadd.s32 $0x10, s8  }
0xdb: {  	s10 =	sadd.s32 $0x9C4, s9;
	v18 =	vld.idx.msk [tilespmem:v24+s4+$0x0], $0xffff;
	(erf) = vrcp.f32 v25;
	v24 =	vmov s8;
	v22 =	vmul.f32 v22, v14  }
0xdc: {  	v25 =	vadd.s32 s10, v2;
	v12 =	vadd.s32 s10, v3;
	v23 =	vld.idx.msk [tilespmem:v23+s4+$0x0], $0xffff;
	(erf) = vrcp.f32 v27  }
0xdd: {  	vm2 =	vlt.u32 v24, v0;
	v24 =	vshra.s32 v7, $0x17;
	v7 =	vmovc v11;
	v22 =	vadd.f32 $6.666666860e-01, v22  }
0xde: {  	vm3 =	vgt.f32 v10, $0.0e+00;
	v11 =	vadd.f32 v19, v17;
	v24 =	vadd.s32 $0xFFFFFF81, v24  }
0xdf: {  	v10 =	vadd.f32 v20, v15;
	v24 =	vcvt.s32.f32 v24;
	v14 =	vmul.f32 v22, v14  }
0xe0: {  	v17 =	vmin.f32 v17, v21;
	v19 =	vmin.f32 v19, v26;
	v22 =	vsel vm1, $0x3F800000, v1  }
0xe1: {  	v20 =	vmin.f32 v20, v18;
	v22 =	vadd.f32 v24, v22;
	v14 =	vadd.f32 $2.000000000e+00, v14  }
0xe2: {  	v21 =	vadd.f32 v26, v21;
	v18 =	vadd.f32 v18, v23;
	v15 =	vmin.f32 v15, v23  }
0xe3: {  	v17 =	vadd.f32 v19, v17;
	v9 =	vmul.f32 v14, v9;
	v14 =	vmul.f32 $6.931471820e-01, v22  }
0xe4: {  	v16 =	vadd.f32 $-1.000000000e+00, v16;
	v10 =	vmul.f32 v10, v11;
	v11 =	vadd.f32 $1.000000000e+00, v13;
	v13 =	vpop (erf)  }
0xe5: {  	v15 =	vadd.f32 v20, v15;
	v18 =	vmul.f32 v18, v21;
	v19 =	vpop (erf);
	v14 =	vadd.f32 v9, v14  }
0xe6: {  	vm1 =	vmand vm2, vm3;
	v11 =	vmul.f32 v13, v11;
	v9 =	vmul.f32 v19, v16  }
0xe7: {  	v13 =	vmul.f32 v15, v17;
	v16 =	vadd.f32 v18, v10;
	v10 =	vld [tilespmem:s6+$0x2A81];
	v15 =	vnsel vm1, $0x0, v14;
	s6 =	smov.u32 s5;
	s5 =	smov.u32 s7;
	s7 =	sshra.s32 s9, $0x2  }
.Ltmp1:
0xe8: {  	v18 =	vand.u32 $0x7FFFFF, v11;
	v17 =	vld [tilespmem:s7+$0x9C4];
	v14 =	vmul.f32 v9, v9;
	v8 =	vadd.f32 v15, v8;
	(pc) =	sbr.rel @p0 .LBB2_3-.Ltmp1, $4  }
0xe9: {  	v24 =	vadd.s32 s10, v4;
	v23 =	vadd.s32 s10, v5;
	v22 =	vor.u32 $0x3F800000, v18;
	v15 =	vld [tilespmem:s7+$0xC35]  }
0xea: {  	v16 =	vsub.f32 v16, v13;
	v26 =	vmul.f32 $5.000000000e-01, v22;
	v19 =	vld [tilespmem:s7+$0xEA6];
	v27 =	vmul.f32 $2.857142980e-01, v14  }
0xeb: {  	v18 =	vsel vm1, $0x3F800000, v1;
	vm1 =	vmmov vm0;
	vm0 =	vgt.f32 v22, $1.414213540e+00;
	v20 =	vld [tilespmem:s7+$0x1117]  }
0xec: {  	s9 =	sadd.s32 $0x40, s9;
	v21 =	vld.idx.msk [tilespmem:v25+s4+$0x0], $0xffff;
	v25 =	vadd.f32 $1.000000000e+00, v16;
	v16 =	vsel vm0, v26, v22;
	v22 =	vadd.f32 $4.000000060e-01, v27  }
0xed: {  	_ =	sdelay $0x3  }
0xee: {  	v2 =	vld.idx.msk [tilespmem:v12+s4+$0x0], $0xffff  }
0xef: {  	v3 =	vld.idx.msk [tilespmem:v24+s4+$0x0], $0xffff  }
0xf0: {  	v4 =	vld.idx.msk [tilespmem:v23+s4+$0x0], $0xffff;
	_ =	sdelay $0x3  }
0xf1: {  	v5 =	vadd.f32 v19, v17;
	v59 =	vadd.f32 v20, v15;
	v60 =	vmin.f32 v17, v21  }
0xf2: {  	v61 =	vmin.f32 v19, v2;
	v2 =	vadd.f32 v2, v21;
	v62 =	vadd.f32 v3, v4  }
0xf3: {  	v3 =	vmin.f32 v20, v3;
	v4 =	vmin.f32 v15, v4;
	v5 =	vmul.f32 v59, v5  }
0xf4: {  	v63 =	vadd.f32 v61, v60;
	v3 =	vadd.f32 v3, v4;
	v2 =	vmul.f32 v62, v2;
	_ =	sdelay $0x1  }
0xf5: {  	v3 =	vmul.f32 v3, v63;
	v2 =	vadd.f32 v2, v5;
	_ =	sdelay $0x1  }
0xf6: {  	v2 =	vsub.f32 v2, v3  }
0xf7: {  	v17 =	vadd.f32 $1.000000000e+00, v16  }
0xf8: {  	(erf) = vrcp.f32 v25;
	v2 =	vadd.f32 $1.000000000e+00, v2  }
0xf9: {  	(erf) = vrcp.f32 v17  }
0xfa: {  	(erf) = vrcp.f32 v2;
	_ =	sdelay $0x5  }
0xfb: {  	v19 =	vadd.f32 $1.000000000e+00, v13  }
0xfc: {  	v20 =	vpop (erf)  }
0xfd: {  	v3 =	vadd.f32 $1.000000000e+00, v3;
	v2 =	vmul.f32 v20, v19;
	v21 =	vpop (erf)  }
0xfe: {  	v24 =	vpop (erf)  }
0xff: {  	v23 =	vand.u32 $0x7FFFFF, v2;
	v3 =	vmul.f32 v24, v3  }
0x100: {  	v5 =	vor.u32 $0x3F800000, v23  }
0x101: {  	v25 =	vmul.f32 $5.000000000e-01, v5;
	v27 =	vand.u32 $0x7FFFFF, v3  }
0x102: {  	v26 =	vadd.f32 $-1.000000000e+00, v16;
	vm3 =	vgt.f32 v5, $1.414213540e+00;
	v28 =	vor.u32 $0x3F800000, v27  }
0x103: {  	v7 =	vshra.s32 v7, $0x17;
	v5 =	vsel vm3, v25, v5;
	v15 =	vmul.f32 $5.000000000e-01, v28  }
0x104: {  	v6 =	vadd.f32 v18, v6;
	v29 =	vadd.f32 $1.000000000e+00, v5;
	vm2 =	vgt.f32 v28, $1.414213540e+00  }
0x105: {  	v36 =	vsel vm1, $0x3F800000, v1;
	v11 =	vshra.s32 v11, $0x17;
	v12 =	vsel vm2, v15, v28  }
0x106: {  	vm0 =	vmmov vm0;
	(erf) = vrcp.f32 v29;
	v15 =	vadd.f32 $1.000000000e+00, v12  }
0x107: {  	s29 =	sadd.s32 $0x10, s8;
	vm6 =	vgt.f32 v10, $0.0e+00;
	v30 =	vmul.f32 v22, v14;
	v4 =	vmul.f32 v21, v26  }
0x108: {  	v7 =	vadd.s32 $0xFFFFFF81, v7;
	v35 =	vmov s29;
	(erf) = vrcp.f32 v15  }
0x109: {  	v11 =	vadd.s32 $0xFFFFFF81, v11;
	v39 =	vsel vm0, $0x3F800000, v1;
	v31 =	vmul.f32 v4, v4  }
0x10a: {  	s4 =	sadd.s32 $0x10, s29;
	v7 =	vcvt.s32.f32 v7;
	vm5 =	vlt.u32 v35, v0;
	v40 =	vcvt.s32.f32 v11  }
0x10b: {  	v42 =	vld [tilespmem:s6+$0x2A81];
	v47 =	vmov s4;
	s4 =	sadd.s32 $0x10, s4;
	v32 =	vadd.f32 $6.666666860e-01, v30;
	v33 =	vmul.f32 $2.857142980e-01, v31  }
0x10c: {  	vm0 =	vmand vm5, vm6;
	vm7 =	vlt.u32 v47, v0;
	v58 =	vmov s4  }
0x10d: {  	v7 =	vadd.f32 v7, v36;
	v13 =	vmul.f32 v32, v14;
	v34 =	vadd.f32 $4.000000060e-01, v33  }
0x10e: {  	v54 =	vld [tilespmem:s5+$0x2A81];
	v10 =	vadd.f32 v40, v39;
	v49 =	vsel vm0, $0x3F800000, v1;
	v5 =	vadd.f32 $-1.000000000e+00, v5  }
0x10f: {  	v56 =	vld [tilespmem:s7+$0x2A81];
	vm11 =	vlt.u32 v58, v0;
	v13 =	vadd.f32 $2.000000000e+00, v13;
	v14 =	vmul.f32 v34, v31;
	v38 =	vpop (erf)  }
0x110: {  	vm8 =	vgt.f32 v42, $0.0e+00;
	v41 =	vadd.f32 $-1.000000000e+00, v12;
	v5 =	vmul.f32 v38, v5  }
0x111: {  	v7 =	vmul.f32 $6.931471820e-01, v7;
	v9 =	vmul.f32 v13, v9;
	v37 =	vadd.f32 $6.666666860e-01, v14;
	v45 =	vpop (erf)  }
0x112: {  	v6 =	vadd.f32 v49, v6;
	v44 =	vmul.f32 v5, v5;
	v11 =	vmul.f32 v45, v41  }
0x113: {  	vm12 =	vgt.f32 v54, $0.0e+00;
	v7 =	vadd.f32 v9, v7;
	v13 =	vmul.f32 v37, v31  }
0x114: {  	vm14 =	vgt.f32 v56, $0.0e+00;
	v46 =	vmul.f32 $2.857142980e-01, v44;
	v48 =	vmul.f32 v11, v11  }
0x115: {  	v10 =	vmul.f32 $6.931471820e-01, v10;
	v7 =	vnsel vm0, $0x0, v7;
	v43 =	vadd.f32 $2.000000000e+00, v13  }
0x116: {  	vm0 =	vmand vm7, vm8;
	v12 =	vadd.f32 $4.000000060e-01, v46;
	v50 =	vmul.f32 $2.857142980e-01, v48  }
0x117: {  	v7 =	vadd.f32 v7, v8;
	v2 =	vshra.s32 v2, $0x17;
	v4 =	vmul.f32 v43, v4  }
0x118: {  	v2 =	vadd.s32 $0xFFFFFF81, v2;
	v51 =	vmul.f32 v12, v44;
	v9 =	vadd.f32 $4.000000060e-01, v50  }
0x119: {  	v2 =	vcvt.s32.f32 v2;
	vm9 =	vmmov vm3;
	v4 =	vadd.f32 v4, v10  }
0x11a: {  	v3 =	vshra.s32 v3, $0x17;
	v52 =	vadd.f32 $6.666666860e-01, v51;
	v9 =	vmul.f32 v9, v48  }
0x11b: {  	v55 =	vsel vm9, $0x3F800000, v1;
	v3 =	vadd.s32 $0xFFFFFF81, v3;
	v4 =	vnsel vm0, $0x0, v4  }
0x11c: {  	v4 =	vadd.f32 v4, v7;
	v7 =	vmul.f32 v52, v44;
	v9 =	vadd.f32 $6.666666860e-01, v9  }
0x11d: {  	v2 =	vadd.f32 v2, v55;
	v3 =	vcvt.s32.f32 v3;
	vm10 =	vmmov vm2  }
0x11e: {  	s4 =	sadd.s32 $0x10, s4;
	v57 =	vsel vm10, $0x3F800000, v1;
	v7 =	vadd.f32 $2.000000000e+00, v7;
	v9 =	vmul.f32 v9, v48  }
0x11f: {  	v60 =	vmov s4;
	v53 =	vsel vm0, $0x3F800000, v1;
	v3 =	vadd.f32 v3, v57  }
0x120: {  	v2 =	vmul.f32 $6.931471820e-01, v2;
	v5 =	vmul.f32 v7, v5;
	v9 =	vadd.f32 $2.000000000e+00, v9  }
0x121: {  	vm13 =	vlt.u32 v60, v0;
	v6 =	vadd.f32 v53, v6;
	v3 =	vmul.f32 $6.931471820e-01, v3  }
0x122: {  	vm0 =	vmand vm11, vm12;
	v2 =	vadd.f32 v5, v2;
	v59 =	vmul.f32 v9, v11  }
0x123: {  	vm15 =	vmand vm13, vm14;
	v62 =	vsel vm0, $0x3F800000, v1  }
0x124: {  	v2 =	vnsel vm0, $0x0, v2;
	v61 =	vadd.f32 v59, v3;
	v3 =	vadd.f32 v62, v6  }
0x125: {  	v63 =	vsel vm15, $0x3F800000, v1;
	v2 =	vadd.f32 v2, v4  }
0x126: {  	v0 =	vnsel vm15, $0x0, v61;
	v1 =	vadd.f32 v63, v3  }
0x127: {  	v0 =	vadd.f32 v0, v2  }
0x128: {  	s30 =	sshll.u32 s3, $0x5;
	[tilespmem:$0x2D28] =	vst v1  }
0x129: {  	s31 =	simm.s32 $0x2D18;
	s4 =	sadd.s32 s30, s2;
	[tilespmem:$0x2D18] =	vst v0  }
0x12a: {  	[spmem:s4] =	stream.linear.scatter [tilespmem:s31], [sflag:$0x1], $0x20, $0x38;
	[tilespmem:$0x2F68] =	vst v63  }
0x12b: {  	s4 =	simm.s32 $0x1  }
0x12c: {  	_ =	swait.ge [sflag:s4], $0x20  }
0x12d: {  	[sflag:s4] =	ssyncset.done $0x0  }
0x12e: {  	[sflag:s4] =	ssyncadd.s32 $0xFFFFFFE0  }
0x12f: {  	p0 =	sne.s32 s3, $0x0;
	[bflag:$0x0] =	sbarrier.arrive $0xFFFF  }
0x130: {  	_ =	sfence.sel @p0 $0x180000  }
0x131: {  	[bflag:$0x0] =	sbarrier.arrive @p0 $0xFFFF  }
0x132: {  	_ =	strace @p0 $0x90000047  }
0x133: {  	[bflag:$0x2] =	sbarrier.arrive @p0 $0xFFFF  }
0x134: {  	_ =	shalt @p0  }
.LBB2_5:
0x135: {  	s3 =	simm.s32 $0x2D38  }
0x136: {  	[tilespmem:s3], [sflag:$0x1] =	stream.linear.gather [spmem:s2], $0x200, $0x38;
	[tilespmem:$0x2F68] =	vst v63  }
0x137: {  	_ =	swait.ge [sflag:s4], $0x200  }
0x138: {  	[sflag:s4] =	ssyncset.done $0x0  }
0x139: {  	[sflag:s4] =	ssyncadd.s32 $0xFFFFFE00  }
0x13a: {  	v0 =	vld [tilespmem:$0x2D38]  }
0x13b: {  	v1 =	vld [tilespmem:$0x2D48]  }
0x13c: {  	v2 =	vld [tilespmem:$0x2D58]  }
0x13d: {  	v3 =	vld [tilespmem:$0x2D68]  }
0x13e: {  	v4 =	vld [tilespmem:$0x2D78]  }
0x13f: {  	v5 =	vld [tilespmem:$0x2D88];
	v0 =	vadd.f32 $0.0e+00, v0  }
0x140: {  	v6 =	vld [tilespmem:$0x2D98];
	v1 =	vadd.f32 $0.0e+00, v1  }
0x141: {  	v39 =	vld [tilespmem:$0x2DA8];
	v0 =	vadd.f32 v2, v0  }
0x142: {  	v40 =	vld [tilespmem:$0x2DB8];
	v1 =	vadd.f32 v3, v1  }
0x143: {  	v41 =	vld [tilespmem:$0x2DC8];
	v0 =	vadd.f32 v4, v0  }
0x144: {  	v42 =	vld [tilespmem:$0x2DD8];
	v1 =	vadd.f32 v5, v1  }
0x145: {  	v43 =	vld [tilespmem:$0x2DE8];
	v0 =	vadd.f32 v6, v0  }
0x146: {  	v44 =	vld [tilespmem:$0x2DF8];
	v1 =	vadd.f32 v39, v1  }
0x147: {  	v45 =	vld [tilespmem:$0x2E08];
	v0 =	vadd.f32 v40, v0  }
0x148: {  	v46 =	vld [tilespmem:$0x2E18];
	v1 =	vadd.f32 v41, v1  }
0x149: {  	v47 =	vld [tilespmem:$0x2E28];
	v0 =	vadd.f32 v42, v0  }
0x14a: {  	v48 =	vld [tilespmem:$0x2E38];
	v1 =	vadd.f32 v43, v1  }
0x14b: {  	v49 =	vld [tilespmem:$0x2E48];
	v0 =	vadd.f32 v44, v0  }
0x14c: {  	v50 =	vld [tilespmem:$0x2E58];
	v1 =	vadd.f32 v45, v1  }
0x14d: {  	v51 =	vld [tilespmem:$0x2E68];
	v0 =	vadd.f32 v46, v0  }
0x14e: {  	v52 =	vld [tilespmem:$0x2E78];
	v1 =	vadd.f32 v47, v1  }
0x14f: {  	v53 =	vld [tilespmem:$0x2E88];
	v0 =	vadd.f32 v48, v0  }
0x150: {  	v54 =	vld [tilespmem:$0x2E98];
	v1 =	vadd.f32 v49, v1  }
0x151: {  	v55 =	vld [tilespmem:$0x2EA8];
	v0 =	vadd.f32 v50, v0  }
0x152: {  	v56 =	vld [tilespmem:$0x2EB8];
	v1 =	vadd.f32 v51, v1  }
0x153: {  	v57 =	vld [tilespmem:$0x2EC8];
	v0 =	vadd.f32 v52, v0  }
0x154: {  	v58 =	vld [tilespmem:$0x2ED8];
	v1 =	vadd.f32 v53, v1  }
0x155: {  	v59 =	vld [tilespmem:$0x2EE8];
	v0 =	vadd.f32 v54, v0  }
0x156: {  	v60 =	vld [tilespmem:$0x2EF8];
	v1 =	vadd.f32 v55, v1  }
0x157: {  	v61 =	vld [tilespmem:$0x2F08];
	v0 =	vadd.f32 v56, v0  }
0x158: {  	v62 =	vld [tilespmem:$0x2F18];
	v1 =	vadd.f32 v57, v1  }
0x159: {  	v63 =	vld [tilespmem:$0x2F28];
	v0 =	vadd.f32 v58, v0  }
0x15a: {  	v1 =	vadd.f32 v59, v1  }
0x15b: {  	v0 =	vadd.f32 v60, v0  }
0x15c: {  	v1 =	vadd.f32 v61, v1  }
0x15d: {  	v0 =	vadd.f32 v62, v0  }
0x15e: {  	v1 =	vadd.f32 v63, v1  }
0x15f: {  	(xrf2) =	vadd.scan.msk.f32 $0xffff, v0  }
0x160: {  	(xrf2) =	vadd.scan.msk.f32 $0xffff, v1;
	_ =	sdelay $0x8  }
0x161: {  	v0, _, _ =	vpop (xrf2)  }
0x162: {  	v1, _, _ =	vpop (xrf2)  }
0x163: {  	v1 =	vmax.f32 v1, $1.000000000e+00  }
0x164: {  	v1 =	vbroadcast v1, $0xF;
	_ =	sdelay $0x1  }
0x165: {  	(erf) = vrcp.f32 v1;
	_ =	sdelay $0x5  }
0x166: {  	v0 =	vsub.f32 $0.0e+00, v0;
	_ =	sdelay $0x1  }
0x167: {  	v0 =	vbroadcast v0, $0xF  }
0x168: {  	v1 =	vpop (erf)  }
0x169: {  	v0 =	vmul.f32 v1, v0;
	_ =	sdelay $0x1  }
0x16a: {  	s30 =	simm.s32 $0x0;
	s31 =	simm.s32 $0x2F38;
	[tilespmem:$0x2F38] =	vst v0  }
0x16b: {  	[hbm4b:s1+s30] =	stream.linear.scatter [tilespmem:s31], [sflag:$0x1], $0x10, $0x38;
	[tilespmem:$0x2F68] =	vst v63  }
0x16c: {  	_ =	swait.ge [sflag:s4], $0x10  }
0x16d: {  	[sflag:s4] =	ssyncset.done $0x0  }
0x16e: {  	[sflag:s4] =	ssyncadd.s32 $0xFFFFFFF0  }
0x16f: {  	_ =	sfence.sel $0x180000  }
0x170: {  	[bflag:$0x0] =	sbarrier.arrive $0xFFFF  }
0x171: {  	_ =	strace $0x90000047  }
0x172: {  	s0 =	sadd.s32 $0x100000, s0;
	[bflag:$0x2] =	sbarrier.arrive $0xFFFF  }
0x173: {  	[sflag:s0] =	ssyncadd.tile.s32 $0x1;
	_ =	shalt  }
.Lfunc_end2:
_tile_overlayer_lowered:
.L_overlay_start_2:
0x174: {  	(tag) =	ssettag $0x2  }
0x175: {  	s0 =	rddreg [dreg:$0x0];
	s2 =	stileid.u32  }
0x176: {  	s1 =	rddreg [dreg:$0x1];
	p0 =	sne.s32 s2, $0x0  }
0x177: {  	s3 =	rddreg [dreg:$0x2];
	[bflag:$0x3] =	sbarrier.arrive $0xFFFF;
	s2 =	simm.s32 @!p0 $0x1C01  }
0x178: {  	[timem:s3], [sflag:s2] =	dma.local @!p0 [hbm:s0], s1  }
0x179: {  	s0 =	simm.s32 @!p0 $0x1  }
0x17a: {  	_ =	swait.ge @!p0 [sflag:s0], s1  }
0x17b: {  	s1 =	ssub.s32 @!p0 $0x0, s1;
	[sflag:s0] =	ssyncset.done @!p0 $0x0  }
0x17c: {  	[sflag:s0] =	ssyncadd.s32 @!p0 s1  }
0x17d: {  	[bflag:$0x3] =	sbarrier.arrive $0xFFFF  }
0x17e: {  	_ =	shalt  }

</sc_bundles>
